<compile_context>
chip_gen: v7x
topology: tpu7x:2x2x1
jax: 0.10.2.dev20260603
libtpu: 0.0.44.dev20260713+nightly
codegen_flags: <defaults>
</compile_context>

<pallas_src>
import functools

import jax
import jax.numpy as jnp
from jax import lax
from jax.experimental import pallas as pl
from jax.experimental.pallas import tpu as pltpu
from jax.experimental.pallas import tpu_sc as plsc

VOCAB = 1000000
D = 64
BATCH = 4096
SEQ = 200
PAD = 0

NC, NS, L = 2, 16, 16
NW = NC * NS

VCHUNK = 8192
VGRID = (VOCAB + VCHUNK - 1) // VCHUNK


VCHUNK2 = 4096
HALF = 122 * VCHUNK2
TROWS = VOCAB - HALF
VGRID2 = (TROWS + VCHUNK2 - 1) // VCHUNK2


def _table_body(a_ref, b_ref, o_ref):
    o_ref[:, 0:D] = jnp.transpose(a_ref[...])
    o_ref[:, D:128] = jnp.transpose(b_ref[...])


def _pack_table(table_t):
    return pl.pallas_call(
        _table_body,
        grid=(VGRID2,),
        in_specs=[
            pl.BlockSpec((D, VCHUNK2), lambda i: (0, i)),
            pl.BlockSpec((D, VCHUNK2), lambda i: (0, i + 122)),
        ],
        out_specs=pl.BlockSpec((VCHUNK2, 128), lambda i: (i, 0)),
        out_shape=jax.ShapeDtypeStruct((TROWS, 128), jnp.float32),
    )(table_t, table_t)


def _out_body(x_ref, i_ref, o_ref):
    ids = i_ref[0]
    hi = ids >= HALF
    xlo = jnp.transpose(x_ref[0, :, 0:D])
    xhi = jnp.transpose(x_ref[0, :, D:128])
    m = (ids != PAD).astype(jnp.float32)
    o_ref[0] = jnp.where(hi, xhi, xlo) * m


def _mask_transpose(rows, idx_t):
    return pl.pallas_call(
        _out_body,
        grid=(SEQ,),
        in_specs=[
            pl.BlockSpec((1, BATCH, 128), lambda i: (i, 0, 0)),
            pl.BlockSpec((1, 1, BATCH), lambda i: (i, 0, 0)),
        ],
        out_specs=pl.BlockSpec((1, D, BATCH), lambda i: (i, 0, 0)),
        out_shape=jax.ShapeDtypeStruct((SEQ, D, BATCH), jnp.float32),
    )(rows, idx_t.reshape(SEQ, 1, BATCH))


@functools.partial(
    pl.kernel,
    out_type=jax.ShapeDtypeStruct((SEQ, BATCH, 128), jnp.float32),
    mesh=plsc.VectorSubcoreMesh(core_axis_name="c", subcore_axis_name="s"),
    scratch_types=[
        pltpu.VMEM((3, 128), jnp.int32),
        pltpu.VMEM((3, 128), jnp.int32),
        pltpu.VMEM((2, 128, 128), jnp.float32),
        pltpu.SemaphoreType.DMA,
        pltpu.SemaphoreType.DMA,
        pltpu.SemaphoreType.DMA,
    ],
    compiler_params=pltpu.CompilerParams(
        needs_layout_passes=False, use_tc_tiling_on_sc=True
    ),
)
def _emb_gather(idx_hbm, tbl_hbm, out_hbm, idx_r, gix_r, rows_r, isem, gsem, osem):
    wid = lax.axis_index("s") * NC + lax.axis_index("c")
    b0 = wid * 128

    def gix_compute(j):
        for g in range(128 // L):
            v = idx_r[j % 3, pl.ds(g * L, L)]
            gix_r[j % 3, pl.ds(g * L, L)] = jnp.where(v >= HALF, v - HALF, v)

    def idx_start(j):
        pltpu.async_copy(idx_hbm.at[j, pl.ds(b0, 128)], idx_r.at[j % 3], isem)

    def idx_wait(j):
        pltpu.make_async_copy(
            idx_hbm.at[j, pl.ds(b0, 128)], idx_r.at[j % 3], isem
        ).wait()

    def gather_start(j, b):
        pltpu.async_copy(tbl_hbm.at[gix_r.at[j % 3]], rows_r.at[b], gsem)

    def gather_wait(b):
        pltpu.make_async_copy(tbl_hbm.at[gix_r.at[0]], rows_r.at[b], gsem).wait()

    def out_start(j, b):
        pltpu.async_copy(
            rows_r.at[b], out_hbm.at[j, pl.ds(b0, 128), :], osem
        )

    def out_wait(j, b):
        pltpu.make_async_copy(
            rows_r.at[b], out_hbm.at[j, pl.ds(b0, 128), :], osem
        ).wait()

    idx_start(0)
    idx_start(1)
    idx_wait(0)
    gix_compute(0)
    gather_start(0, 0)

    def half(i, b, carry):
        j = i * 2 + b

        @pl.when(j < SEQ - 1)
        def _():
            idx_wait(j + 1)
            gix_compute(j + 1)

            @pl.when(j >= 1)
            def _():
                out_wait(j - 1, 1 - b)

            gather_start(j + 1, 1 - b)

        @pl.when(j < SEQ - 2)
        def _():
            idx_start(j + 2)

        gather_wait(b)
        out_start(j, b)
        return carry

    def pair(i, carry):
        half(i, 0, carry)
        half(i, 1, carry)
        return carry

    lax.fori_loop(0, SEQ // 2, pair, 0)
    out_wait(SEQ - 1, 1)


def kernel(inputs, embedding_matrix):
    idx_t = jnp.transpose(inputs).astype(jnp.int32)
    tbl = _pack_table(jnp.transpose(embedding_matrix))
    rows = _emb_gather(idx_t, tbl)
    out = _mask_transpose(rows, idx_t)
    return jnp.transpose(out, (2, 0, 1))

# --- scband reference (transcript-rebuilt; emitter-appended) ---
"""Pipeline reference for scband-token-embedding-9749575762347 (READ-ONLY COPY).

The authoritative reference and input builder live on the scoring server;
editing this copy changes nothing except your own understanding.
"""

import jax, jax.numpy as jnp
import numpy as np

VOCAB = 1000000
EMBED_DIM = 64
MAX_CONTEXT = 200
PADDING_TOKEN = 0
BATCH = 4096
SEQ = 200

def setup_inputs(seed: int = 0) -> dict:
    key = jax.random.key(seed)
    k1, k2 = jax.random.split(key)
    inputs = jax.random.randint(k1, (BATCH, SEQ), 0, VOCAB, dtype=jnp.int64 if jax.config.jax_enable_x64 else jnp.int32)
    embedding_matrix = jax.random.normal(k2, (VOCAB, EMBED_DIM), dtype=jnp.float32) * 0.02
    return {"inputs": inputs, "embedding_matrix": embedding_matrix}

def reference(inputs, embedding_matrix):
    # Truncate to last max_context tokens (no-op here since SEQ == MAX_CONTEXT,
    # but kept for faithfulness to the original module).
    if inputs.shape[1] > MAX_CONTEXT:
        inputs = inputs[:, -MAX_CONTEXT:]
    embedding = jnp.take(embedding_matrix, inputs, axis=0)
    # padding_token masking
    mask = (inputs != PADDING_TOKEN).astype(jnp.float32)
    mask = mask[:, :, None]
    mask = jnp.tile(mask, (1, 1, EMBED_DIM))
    return embedding * mask

if __name__ == "__main__":
    import jax
    _d = setup_inputs()
    print(jax.jit(kernel)(*tuple(_d.values())))

</pallas_src>

<mosaic_0001>
#map = affine_map<(d0, d1) -> (0, 0)>
#map1 = affine_map<(d0, d1) -> (0, 0, 0)>
module attributes {stable_mosaic.version = 14 : i64} {
  func.func @_emb_gather(%arg0: i32, %arg1: i32, %arg2: memref<200x4096xi32, #tpu.memory_space<hbm>>, %arg3: memref<500288x128xf32, #tpu.memory_space<hbm>>, %arg4: memref<200x4096x128xf32, #tpu.memory_space<hbm>>, %arg5: memref<3x128xi32, #tpu.memory_space<vmem>>, %arg6: memref<3x128xi32, #tpu.memory_space<vmem>>, %arg7: memref<2x128x128xf32, #tpu.memory_space<vmem>>, %arg8: memref<!tpu.dma_semaphore, #tpu.memory_space<semaphore_mem>>, %arg9: memref<!tpu.dma_semaphore, #tpu.memory_space<semaphore_mem>>, %arg10: memref<!tpu.dma_semaphore, #tpu.memory_space<semaphore_mem>>) attributes {dimension_semantics = [#tpu.dimension_semantics<core_parallel>, #tpu.dimension_semantics<subcore_parallel>], iteration_bounds = array<i64: 2, 16>, scalar_prefetch = 0 : i64, scratch_operands = 6 : i64, tpu.core_type = #tpu.core_type<sc_vector_subcore>, window_params = [{transform_indices = #map}, {transform_indices = #map}, {transform_indices = #map1}]} {
    %mul3A = arith.constant 2 : i32
    %mul3A_0 = arith.muli %arg1, %mul3A : i32
    %add3A = arith.addi %mul3A_0, %arg0 : i32
    %mul3A_1 = arith.constant 128 : i32
    %mul3A_2 = arith.muli %add3A, %mul3A_1 : i32
    %dma_start3A = arith.constant 0 : i32
    %dma_start3A_3 = arith.constant 0 : i32
    %dma_start3A_4 = arith.constant 0 : i32
    %dma_start3A_5 = tpu.memref_slice %arg5[%dma_start3A_3, %dma_start3A_4] : memref<3x128xi32, #tpu.memory_space<vmem>> -> memref<1x128xi32, #tpu.memory_space<vmem>>
    %dma_start3A_6 = tpu.memref_squeeze %dma_start3A_5 : memref<1x128xi32, #tpu.memory_space<vmem>> -> memref<128xi32, #tpu.memory_space<vmem>>
    %dma_start3A_7 = tpu.memref_slice %arg2[%dma_start3A, %mul3A_2] : memref<200x4096xi32, #tpu.memory_space<hbm>> -> memref<1x128xi32, #tpu.memory_space<hbm>>
    %dma_start3A_8 = tpu.memref_squeeze %dma_start3A_7 : memref<1x128xi32, #tpu.memory_space<hbm>> -> memref<128xi32, #tpu.memory_space<hbm>>
    %dma_start3A_9 = arith.constant 0 : i32
    %dma_start3A_10 = tpu.memref_slice %arg5[%dma_start3A_3, %dma_start3A_9] : memref<3x128xi32, #tpu.memory_space<vmem>> -> memref<1x128xi32, #tpu.memory_space<vmem>>
    %dma_start3A_11 = tpu.memref_squeeze %dma_start3A_10 : memref<1x128xi32, #tpu.memory_space<vmem>> -> memref<128xi32, #tpu.memory_space<vmem>>
    %dma_start3A_12 = tpu.memref_slice %arg2[%dma_start3A, %mul3A_2] : memref<200x4096xi32, #tpu.memory_space<hbm>> -> memref<1x128xi32, #tpu.memory_space<hbm>>
    %dma_start3A_13 = tpu.memref_squeeze %dma_start3A_12 : memref<1x128xi32, #tpu.memory_space<hbm>> -> memref<128xi32, #tpu.memory_space<hbm>>
    tpu.enqueue_dma source(%dma_start3A_13 : memref<128xi32, #tpu.memory_space<hbm>>) target(%dma_start3A_11 : memref<128xi32, #tpu.memory_space<vmem>>) target_semaphore(%arg8 : memref<!tpu.dma_semaphore, #tpu.memory_space<semaphore_mem>>)
    %dma_start3A_14 = arith.constant 1 : i32
    %dma_start3A_15 = arith.constant 1 : i32
    %dma_start3A_16 = arith.constant 0 : i32
    %dma_start3A_17 = tpu.memref_slice %arg5[%dma_start3A_15, %dma_start3A_16] : memref<3x128xi32, #tpu.memory_space<vmem>> -> memref<1x128xi32, #tpu.memory_space<vmem>>
    %dma_start3A_18 = tpu.memref_squeeze %dma_start3A_17 : memref<1x128xi32, #tpu.memory_space<vmem>> -> memref<128xi32, #tpu.memory_space<vmem>>
    %dma_start3A_19 = tpu.memref_slice %arg2[%dma_start3A_14, %mul3A_2] : memref<200x4096xi32, #tpu.memory_space<hbm>> -> memref<1x128xi32, #tpu.memory_space<hbm>>
    %dma_start3A_20 = tpu.memref_squeeze %dma_start3A_19 : memref<1x128xi32, #tpu.memory_space<hbm>> -> memref<128xi32, #tpu.memory_space<hbm>>
    %dma_start3A_21 = arith.constant 0 : i32
    %dma_start3A_22 = tpu.memref_slice %arg5[%dma_start3A_15, %dma_start3A_21] : memref<3x128xi32, #tpu.memory_space<vmem>> -> memref<1x128xi32, #tpu.memory_space<vmem>>
    %dma_start3A_23 = tpu.memref_squeeze %dma_start3A_22 : memref<1x128xi32, #tpu.memory_space<vmem>> -> memref<128xi32, #tpu.memory_space<vmem>>
    %dma_start3A_24 = tpu.memref_slice %arg2[%dma_start3A_14, %mul3A_2] : memref<200x4096xi32, #tpu.memory_space<hbm>> -> memref<1x128xi32, #tpu.memory_space<hbm>>
    %dma_start3A_25 = tpu.memref_squeeze %dma_start3A_24 : memref<1x128xi32, #tpu.memory_space<hbm>> -> memref<128xi32, #tpu.memory_space<hbm>>
    tpu.enqueue_dma source(%dma_start3A_25 : memref<128xi32, #tpu.memory_space<hbm>>) target(%dma_start3A_23 : memref<128xi32, #tpu.memory_space<vmem>>) target_semaphore(%arg8 : memref<!tpu.dma_semaphore, #tpu.memory_space<semaphore_mem>>)
    %dma_wait3A = arith.constant 0 : i32
    %dma_wait3A_26 = arith.constant 0 : i32
    %dma_wait3A_27 = arith.constant 0 : i32
    %dma_wait3A_28 = tpu.memref_slice %arg5[%dma_wait3A_26, %dma_wait3A_27] : memref<3x128xi32, #tpu.memory_space<vmem>> -> memref<1x128xi32, #tpu.memory_space<vmem>>
    %dma_wait3A_29 = tpu.memref_squeeze %dma_wait3A_28 : memref<1x128xi32, #tpu.memory_space<vmem>> -> memref<128xi32, #tpu.memory_space<vmem>>
    %dma_wait3A_30 = tpu.memref_slice %arg2[%dma_wait3A, %mul3A_2] : memref<200x4096xi32, #tpu.memory_space<hbm>> -> memref<1x128xi32, #tpu.memory_space<hbm>>
    %dma_wait3A_31 = tpu.memref_squeeze %dma_wait3A_30 : memref<1x128xi32, #tpu.memory_space<hbm>> -> memref<128xi32, #tpu.memory_space<hbm>>
    %dma_wait3A_32 = arith.constant 0 : i32
    %dma_wait3A_33 = tpu.memref_slice %arg5[%dma_wait3A_26, %dma_wait3A_32] : memref<3x128xi32, #tpu.memory_space<vmem>> -> memref<1x128xi32, #tpu.memory_space<vmem>>
    %dma_wait3A_34 = tpu.memref_squeeze %dma_wait3A_33 : memref<1x128xi32, #tpu.memory_space<vmem>> -> memref<128xi32, #tpu.memory_space<vmem>>
    %dma_wait3A_35 = tpu.memref_slice %arg2[%dma_wait3A, %mul3A_2] : memref<200x4096xi32, #tpu.memory_space<hbm>> -> memref<1x128xi32, #tpu.memory_space<hbm>>
    %dma_wait3A_36 = tpu.memref_squeeze %dma_wait3A_35 : memref<1x128xi32, #tpu.memory_space<hbm>> -> memref<128xi32, #tpu.memory_space<hbm>>
    tpu.wait_dma2 semaphore(%arg8 : memref<!tpu.dma_semaphore, #tpu.memory_space<semaphore_mem>>) src(%dma_wait3A_36 : memref<128xi32, #tpu.memory_space<hbm>>) dst(%dma_wait3A_34 : memref<128xi32, #tpu.memory_space<vmem>>)
    %get3A = arith.constant 0 : i32
    %get3A_37 = arith.index_cast %get3A : i32 to index
    %get3A_38 = arith.constant 0 : index
    %get3A_39 = tpu.vector_load %arg5[%get3A_37, %get3A_38] {strides = array<i32>} : memref<3x128xi32, #tpu.memory_space<vmem>>, vector<16xi32>,
    %ge3A = arith.constant 499712 : i32
    %ge3A_40 = vector.broadcast %ge3A : i32 to vector<16xi32>
    %ge3A_41 = arith.cmpi sge, %get3A_39, %ge3A_40 : vector<16xi32>
    %sub3A = arith.constant 499712 : i32
    %sub3A_42 = vector.broadcast %sub3A : i32 to vector<16xi32>
    %sub3A_43 = arith.subi %get3A_39, %sub3A_42 : vector<16xi32>
    %select_n3A = arith.select %ge3A_41, %sub3A_43, %get3A_39 : vector<16xi1>, vector<16xi32>
    %swap3A = arith.constant 0 : i32
    %swap3A_44 = arith.index_cast %swap3A : i32 to index
    %swap3A_45 = arith.constant 0 : index
    %swap3A_46 = tpu.vector_load %arg6[%swap3A_44, %swap3A_45] {strides = array<i32>} : memref<3x128xi32, #tpu.memory_space<vmem>>, vector<16xi32>,
    tpu.vector_store %arg6[%swap3A_44, %swap3A_45], %select_n3A {strides = array<i32>} : memref<3x128xi32, #tpu.memory_space<vmem>>, vector<16xi32>,
    %get3A_47 = arith.constant 0 : i32
    %get3A_48 = arith.index_cast %get3A_47 : i32 to index
    %get3A_49 = arith.constant 16 : index
    %get3A_50 = tpu.vector_load %arg5[%get3A_48, %get3A_49] {strides = array<i32>} : memref<3x128xi32, #tpu.memory_space<vmem>>, vector<16xi32>,
    %ge3A_51 = arith.constant 499712 : i32
    %ge3A_52 = vector.broadcast %ge3A_51 : i32 to vector<16xi32>
    %ge3A_53 = arith.cmpi sge, %get3A_50, %ge3A_52 : vector<16xi32>
    %sub3A_54 = arith.constant 499712 : i32
    %sub3A_55 = vector.broadcast %sub3A_54 : i32 to vector<16xi32>
    %sub3A_56 = arith.subi %get3A_50, %sub3A_55 : vector<16xi32>
    %select_n3A_57 = arith.select %ge3A_53, %sub3A_56, %get3A_50 : vector<16xi1>, vector<16xi32>
    %swap3A_58 = arith.constant 0 : i32
    %swap3A_59 = arith.index_cast %swap3A_58 : i32 to index
    %swap3A_60 = arith.constant 16 : index
    %swap3A_61 = tpu.vector_load %arg6[%swap3A_59, %swap3A_60] {strides = array<i32>} : memref<3x128xi32, #tpu.memory_space<vmem>>, vector<16xi32>,
    tpu.vector_store %arg6[%swap3A_59, %swap3A_60], %select_n3A_57 {strides = array<i32>} : memref<3x128xi32, #tpu.memory_space<vmem>>, vector<16xi32>,
    %get3A_62 = arith.constant 0 : i32
    %get3A_63 = arith.index_cast %get3A_62 : i32 to index
    %get3A_64 = arith.constant 32 : index
    %get3A_65 = tpu.vector_load %arg5[%get3A_63, %get3A_64] {strides = array<i32>} : memref<3x128xi32, #tpu.memory_space<vmem>>, vector<16xi32>,
    %ge3A_66 = arith.constant 499712 : i32
    %ge3A_67 = vector.broadcast %ge3A_66 : i32 to vector<16xi32>
    %ge3A_68 = arith.cmpi sge, %get3A_65, %ge3A_67 : vector<16xi32>
    %sub3A_69 = arith.constant 499712 : i32
    %sub3A_70 = vector.broadcast %sub3A_69 : i32 to vector<16xi32>
    %sub3A_71 = arith.subi %get3A_65, %sub3A_70 : vector<16xi32>
    %select_n3A_72 = arith.select %ge3A_68, %sub3A_71, %get3A_65 : vector<16xi1>, vector<16xi32>
    %swap3A_73 = arith.constant 0 : i32
    %swap3A_74 = arith.index_cast %swap3A_73 : i32 to index
    %swap3A_75 = arith.constant 32 : index
    %swap3A_76 = tpu.vector_load %arg6[%swap3A_74, %swap3A_75] {strides = array<i32>} : memref<3x128xi32, #tpu.memory_space<vmem>>, vector<16xi32>,
    tpu.vector_store %arg6[%swap3A_74, %swap3A_75], %select_n3A_72 {strides = array<i32>} : memref<3x128xi32, #tpu.memory_space<vmem>>, vector<16xi32>,
    %get3A_77 = arith.constant 0 : i32
    %get3A_78 = arith.index_cast %get3A_77 : i32 to index
    %get3A_79 = arith.constant 48 : index
    %get3A_80 = tpu.vector_load %arg5[%get3A_78, %get3A_79] {strides = array<i32>} : memref<3x128xi32, #tpu.memory_space<vmem>>, vector<16xi32>,
    %ge3A_81 = arith.constant 499712 : i32
    %ge3A_82 = vector.broadcast %ge3A_81 : i32 to vector<16xi32>
    %ge3A_83 = arith.cmpi sge, %get3A_80, %ge3A_82 : vector<16xi32>
    %sub3A_84 = arith.constant 499712 : i32
    %sub3A_85 = vector.broadcast %sub3A_84 : i32 to vector<16xi32>
    %sub3A_86 = arith.subi %get3A_80, %sub3A_85 : vector<16xi32>
    %select_n3A_87 = arith.select %ge3A_83, %sub3A_86, %get3A_80 : vector<16xi1>, vector<16xi32>
    %swap3A_88 = arith.constant 0 : i32
    %swap3A_89 = arith.index_cast %swap3A_88 : i32 to index
    %swap3A_90 = arith.constant 48 : index
    %swap3A_91 = tpu.vector_load %arg6[%swap3A_89, %swap3A_90] {strides = array<i32>} : memref<3x128xi32, #tpu.memory_space<vmem>>, vector<16xi32>,
    tpu.vector_store %arg6[%swap3A_89, %swap3A_90], %select_n3A_87 {strides = array<i32>} : memref<3x128xi32, #tpu.memory_space<vmem>>, vector<16xi32>,
    %get3A_92 = arith.constant 0 : i32
    %get3A_93 = arith.index_cast %get3A_92 : i32 to index
    %get3A_94 = arith.constant 64 : index
    %get3A_95 = tpu.vector_load %arg5[%get3A_93, %get3A_94] {strides = array<i32>} : memref<3x128xi32, #tpu.memory_space<vmem>>, vector<16xi32>,
    %ge3A_96 = arith.constant 499712 : i32
    %ge3A_97 = vector.broadcast %ge3A_96 : i32 to vector<16xi32>
    %ge3A_98 = arith.cmpi sge, %get3A_95, %ge3A_97 : vector<16xi32>
    %sub3A_99 = arith.constant 499712 : i32
    %sub3A_100 = vector.broadcast %sub3A_99 : i32 to vector<16xi32>
    %sub3A_101 = arith.subi %get3A_95, %sub3A_100 : vector<16xi32>
    %select_n3A_102 = arith.select %ge3A_98, %sub3A_101, %get3A_95 : vector<16xi1>, vector<16xi32>
    %swap3A_103 = arith.constant 0 : i32
    %swap3A_104 = arith.index_cast %swap3A_103 : i32 to index
    %swap3A_105 = arith.constant 64 : index
    %swap3A_106 = tpu.vector_load %arg6[%swap3A_104, %swap3A_105] {strides = array<i32>} : memref<3x128xi32, #tpu.memory_space<vmem>>, vector<16xi32>,
    tpu.vector_store %arg6[%swap3A_104, %swap3A_105], %select_n3A_102 {strides = array<i32>} : memref<3x128xi32, #tpu.memory_space<vmem>>, vector<16xi32>,
    %get3A_107 = arith.constant 0 : i32
    %get3A_108 = arith.index_cast %get3A_107 : i32 to index
    %get3A_109 = arith.constant 80 : index
    %get3A_110 = tpu.vector_load %arg5[%get3A_108, %get3A_109] {strides = array<i32>} : memref<3x128xi32, #tpu.memory_space<vmem>>, vector<16xi32>,
    %ge3A_111 = arith.constant 499712 : i32
    %ge3A_112 = vector.broadcast %ge3A_111 : i32 to vector<16xi32>
    %ge3A_113 = arith.cmpi sge, %get3A_110, %ge3A_112 : vector<16xi32>
    %sub3A_114 = arith.constant 499712 : i32
    %sub3A_115 = vector.broadcast %sub3A_114 : i32 to vector<16xi32>
    %sub3A_116 = arith.subi %get3A_110, %sub3A_115 : vector<16xi32>
    %select_n3A_117 = arith.select %ge3A_113, %sub3A_116, %get3A_110 : vector<16xi1>, vector<16xi32>
    %swap3A_118 = arith.constant 0 : i32
    %swap3A_119 = arith.index_cast %swap3A_118 : i32 to index
    %swap3A_120 = arith.constant 80 : index
    %swap3A_121 = tpu.vector_load %arg6[%swap3A_119, %swap3A_120] {strides = array<i32>} : memref<3x128xi32, #tpu.memory_space<vmem>>, vector<16xi32>,
    tpu.vector_store %arg6[%swap3A_119, %swap3A_120], %select_n3A_117 {strides = array<i32>} : memref<3x128xi32, #tpu.memory_space<vmem>>, vector<16xi32>,
    %get3A_122 = arith.constant 0 : i32
    %get3A_123 = arith.index_cast %get3A_122 : i32 to index
    %get3A_124 = arith.constant 96 : index
    %get3A_125 = tpu.vector_load %arg5[%get3A_123, %get3A_124] {strides = array<i32>} : memref<3x128xi32, #tpu.memory_space<vmem>>, vector<16xi32>,
    %ge3A_126 = arith.constant 499712 : i32
    %ge3A_127 = vector.broadcast %ge3A_126 : i32 to vector<16xi32>
    %ge3A_128 = arith.cmpi sge, %get3A_125, %ge3A_127 : vector<16xi32>
    %sub3A_129 = arith.constant 499712 : i32
    %sub3A_130 = vector.broadcast %sub3A_129 : i32 to vector<16xi32>
    %sub3A_131 = arith.subi %get3A_125, %sub3A_130 : vector<16xi32>
    %select_n3A_132 = arith.select %ge3A_128, %sub3A_131, %get3A_125 : vector<16xi1>, vector<16xi32>
    %swap3A_133 = arith.constant 0 : i32
    %swap3A_134 = arith.index_cast %swap3A_133 : i32 to index
    %swap3A_135 = arith.constant 96 : index
    %swap3A_136 = tpu.vector_load %arg6[%swap3A_134, %swap3A_135] {strides = array<i32>} : memref<3x128xi32, #tpu.memory_space<vmem>>, vector<16xi32>,
    tpu.vector_store %arg6[%swap3A_134, %swap3A_135], %select_n3A_132 {strides = array<i32>} : memref<3x128xi32, #tpu.memory_space<vmem>>, vector<16xi32>,
    %get3A_137 = arith.constant 0 : i32
    %get3A_138 = arith.index_cast %get3A_137 : i32 to index
    %get3A_139 = arith.constant 112 : index
    %get3A_140 = tpu.vector_load %arg5[%get3A_138, %get3A_139] {strides = array<i32>} : memref<3x128xi32, #tpu.memory_space<vmem>>, vector<16xi32>,
    %ge3A_141 = arith.constant 499712 : i32
    %ge3A_142 = vector.broadcast %ge3A_141 : i32 to vector<16xi32>
    %ge3A_143 = arith.cmpi sge, %get3A_140, %ge3A_142 : vector<16xi32>
    %sub3A_144 = arith.constant 499712 : i32
    %sub3A_145 = vector.broadcast %sub3A_144 : i32 to vector<16xi32>
    %sub3A_146 = arith.subi %get3A_140, %sub3A_145 : vector<16xi32>
    %select_n3A_147 = arith.select %ge3A_143, %sub3A_146, %get3A_140 : vector<16xi1>, vector<16xi32>
    %swap3A_148 = arith.constant 0 : i32
    %swap3A_149 = arith.index_cast %swap3A_148 : i32 to index
    %swap3A_150 = arith.constant 112 : index
    %swap3A_151 = tpu.vector_load %arg6[%swap3A_149, %swap3A_150] {strides = array<i32>} : memref<3x128xi32, #tpu.memory_space<vmem>>, vector<16xi32>,
    tpu.vector_store %arg6[%swap3A_149, %swap3A_150], %select_n3A_147 {strides = array<i32>} : memref<3x128xi32, #tpu.memory_space<vmem>>, vector<16xi32>,
    %dma_start3A_152 = arith.constant 0 : i32
    %dma_start3A_153 = arith.constant 0 : i32
    %dma_start3A_154 = arith.constant 0 : i32
    %dma_start3A_155 = arith.constant 0 : i32
    %dma_start3A_156 = tpu.memref_slice %arg7[%dma_start3A_153, %dma_start3A_154, %dma_start3A_155] : memref<2x128x128xf32, #tpu.memory_space<vmem>> -> memref<1x128x128xf32, #tpu.memory_space<vmem>>
    %dma_start3A_157 = tpu.memref_squeeze %dma_start3A_156 : memref<1x128x128xf32, #tpu.memory_space<vmem>> -> memref<128x128xf32, #tpu.memory_space<vmem>>
    %dma_start3A_158 = arith.constant 0 : i32
    %dma_start3A_159 = tpu.memref_slice %arg6[%dma_start3A_152, %dma_start3A_158] : memref<3x128xi32, #tpu.memory_space<vmem>> -> memref<1x128xi32, #tpu.memory_space<vmem>>
    %dma_start3A_160 = tpu.memref_squeeze %dma_start3A_159 : memref<1x128xi32, #tpu.memory_space<vmem>> -> memref<128xi32, #tpu.memory_space<vmem>>
    %dma_start3A_161 = arith.constant 0 : i32
    %dma_start3A_162 = arith.constant 0 : i32
    %dma_start3A_163 = tpu.memref_slice %arg3[%dma_start3A_161, %dma_start3A_162] : memref<500288x128xf32, #tpu.memory_space<hbm>> -> memref<500288x128xf32, #tpu.memory_space<hbm>>
    tpu.enqueue_indirect_dma source(%dma_start3A_163 : memref<500288x128xf32, #tpu.memory_space<hbm>>) target(%dma_start3A_157 : memref<128x128xf32, #tpu.memory_space<vmem>>) offsets(%dma_start3A_160 : memref<128xi32, #tpu.memory_space<vmem>>) semaphore(%arg9 : memref<!tpu.dma_semaphore, #tpu.memory_space<semaphore_mem>>)
    %scan3A = arith.constant 0 : i32
    %scan3A_164 = arith.constant 0 : i32
    %scan3A_165 = arith.constant 100 : i32
    %scan3A_166 = arith.addi %scan3A_164, %scan3A_165 : i32
    %scan3A_167 = arith.constant 1 : i32
    scf.for %scan3A_185 = %scan3A_164 to %scan3A_166 step %scan3A_167  : i32 {
      %mul3A_186 = arith.constant 2 : i32
      %mul3A_187 = arith.muli %scan3A_185, %mul3A_186 : i32
      %add3A_188 = arith.constant 0 : i32
      %add3A_189 = arith.addi %mul3A_187, %add3A_188 : i32
      %lt3A = arith.constant 199 : i32
      %lt3A_190 = arith.cmpi slt, %add3A_189, %lt3A : i32
      %convert_element_type3A = arith.extui %lt3A_190 : i1 to i32
      %cond3A = arith.constant 0 : i32
      %cond3A_191 = arith.cmpi ne, %convert_element_type3A, %cond3A : i32
      scf.if %cond3A_191 {
        %add3A_265 = arith.constant 1 : i32
        %add3A_266 = arith.addi %add3A_189, %add3A_265 : i32
        %jit3A = arith.constant 3 : i32
        %eq3A = arith.constant 0 : i32
        %eq3A_267 = arith.cmpi eq, %jit3A, %eq3A : i32
        %jit3A_268 = arith.constant 1 : i32
        %select_n3A_269 = arith.select %eq3A_267, %jit3A_268, %jit3A : i32
        %rem3A = arith.remsi %add3A_266, %select_n3A_269 : i32
        %ne3A = arith.constant 0 : i32
        %ne3A_270 = arith.cmpi ne, %rem3A, %ne3A : i32
        %lt3A_271 = arith.constant 0 : i32
        %lt3A_272 = arith.cmpi slt, %rem3A, %lt3A_271 : i32
        %lt3A_273 = arith.constant 0 : i32
        %lt3A_274 = arith.cmpi slt, %select_n3A_269, %lt3A_273 : i32
        %ne3A_275 = arith.xori %lt3A_272, %lt3A_274 : i1
        %and3A = arith.andi %ne3A_275, %ne3A_270 : i1
        %add3A_276 = arith.addi %rem3A, %select_n3A_269 : i32
        %select_n3A_277 = arith.select %and3A, %add3A_276, %rem3A : i32
        %dma_wait3A_278 = arith.constant 0 : i32
        %dma_wait3A_279 = tpu.memref_slice %arg5[%select_n3A_277, %dma_wait3A_278] : memref<3x128xi32, #tpu.memory_space<vmem>> -> memref<1x128xi32, #tpu.memory_space<vmem>>
        %dma_wait3A_280 = tpu.memref_squeeze %dma_wait3A_279 : memref<1x128xi32, #tpu.memory_space<vmem>> -> memref<128xi32, #tpu.memory_space<vmem>>
        %dma_wait3A_281 = tpu.memref_slice %arg2[%add3A_266, %mul3A_2] : memref<200x4096xi32, #tpu.memory_space<hbm>> -> memref<1x128xi32, #tpu.memory_space<hbm>>
        %dma_wait3A_282 = tpu.memref_squeeze %dma_wait3A_281 : memref<1x128xi32, #tpu.memory_space<hbm>> -> memref<128xi32, #tpu.memory_space<hbm>>
        %dma_wait3A_283 = arith.constant 0 : i32
        %dma_wait3A_284 = tpu.memref_slice %arg5[%select_n3A_277, %dma_wait3A_283] : memref<3x128xi32, #tpu.memory_space<vmem>> -> memref<1x128xi32, #tpu.memory_space<vmem>>
        %dma_wait3A_285 = tpu.memref_squeeze %dma_wait3A_284 : memref<1x128xi32, #tpu.memory_space<vmem>> -> memref<128xi32, #tpu.memory_space<vmem>>
        %dma_wait3A_286 = tpu.memref_slice %arg2[%add3A_266, %mul3A_2] : memref<200x4096xi32, #tpu.memory_space<hbm>> -> memref<1x128xi32, #tpu.memory_space<hbm>>
        %dma_wait3A_287 = tpu.memref_squeeze %dma_wait3A_286 : memref<1x128xi32, #tpu.memory_space<hbm>> -> memref<128xi32, #tpu.memory_space<hbm>>
        tpu.wait_dma2 semaphore(%arg8 : memref<!tpu.dma_semaphore, #tpu.memory_space<semaphore_mem>>) src(%dma_wait3A_287 : memref<128xi32, #tpu.memory_space<hbm>>) dst(%dma_wait3A_285 : memref<128xi32, #tpu.memory_space<vmem>>)
        %add3A_288 = arith.constant 1 : i32
        %add3A_289 = arith.addi %add3A_189, %add3A_288 : i32
        %jit3A_290 = arith.constant 3 : i32
        %eq3A_291 = arith.constant 0 : i32
        %eq3A_292 = arith.cmpi eq, %jit3A_290, %eq3A_291 : i32
        %jit3A_293 = arith.constant 1 : i32
        %select_n3A_294 = arith.select %eq3A_292, %jit3A_293, %jit3A_290 : i32
        %rem3A_295 = arith.remsi %add3A_289, %select_n3A_294 : i32
        %ne3A_296 = arith.constant 0 : i32
        %ne3A_297 = arith.cmpi ne, %rem3A_295, %ne3A_296 : i32
        %lt3A_298 = arith.constant 0 : i32
        %lt3A_299 = arith.cmpi slt, %rem3A_295, %lt3A_298 : i32
        %lt3A_300 = arith.constant 0 : i32
        %lt3A_301 = arith.cmpi slt, %select_n3A_294, %lt3A_300 : i32
        %ne3A_302 = arith.xori %lt3A_299, %lt3A_301 : i1
        %and3A_303 = arith.andi %ne3A_302, %ne3A_297 : i1
        %add3A_304 = arith.addi %rem3A_295, %select_n3A_294 : i32
        %select_n3A_305 = arith.select %and3A_303, %add3A_304, %rem3A_295 : i32
        %get3A_306 = arith.index_cast %select_n3A_305 : i32 to index
        %get3A_307 = arith.constant 0 : index
        %get3A_308 = tpu.vector_load %arg5[%get3A_306, %get3A_307] {strides = array<i32>} : memref<3x128xi32, #tpu.memory_space<vmem>>, vector<16xi32>,
        %ge3A_309 = arith.constant 499712 : i32
        %ge3A_310 = vector.broadcast %ge3A_309 : i32 to vector<16xi32>
        %ge3A_311 = arith.cmpi sge, %get3A_308, %ge3A_310 : vector<16xi32>
        %sub3A_312 = arith.constant 499712 : i32
        %sub3A_313 = vector.broadcast %sub3A_312 : i32 to vector<16xi32>
        %sub3A_314 = arith.subi %get3A_308, %sub3A_313 : vector<16xi32>
        %select_n3A_315 = arith.select %ge3A_311, %sub3A_314, %get3A_308 : vector<16xi1>, vector<16xi32>
        %jit3A_316 = arith.constant 3 : i32
        %eq3A_317 = arith.constant 0 : i32
        %eq3A_318 = arith.cmpi eq, %jit3A_316, %eq3A_317 : i32
        %jit3A_319 = arith.constant 1 : i32
        %select_n3A_320 = arith.select %eq3A_318, %jit3A_319, %jit3A_316 : i32
        %rem3A_321 = arith.remsi %add3A_289, %select_n3A_320 : i32
        %ne3A_322 = arith.constant 0 : i32
        %ne3A_323 = arith.cmpi ne, %rem3A_321, %ne3A_322 : i32
        %lt3A_324 = arith.constant 0 : i32
        %lt3A_325 = arith.cmpi slt, %rem3A_321, %lt3A_324 : i32
        %lt3A_326 = arith.constant 0 : i32
        %lt3A_327 = arith.cmpi slt, %select_n3A_320, %lt3A_326 : i32
        %ne3A_328 = arith.xori %lt3A_325, %lt3A_327 : i1
        %and3A_329 = arith.andi %ne3A_328, %ne3A_323 : i1
        %add3A_330 = arith.addi %rem3A_321, %select_n3A_320 : i32
        %select_n3A_331 = arith.select %and3A_329, %add3A_330, %rem3A_321 : i32
        %swap3A_332 = arith.index_cast %select_n3A_331 : i32 to index
        %swap3A_333 = arith.constant 0 : index
        %swap3A_334 = tpu.vector_load %arg6[%swap3A_332, %swap3A_333] {strides = array<i32>} : memref<3x128xi32, #tpu.memory_space<vmem>>, vector<16xi32>,
        tpu.vector_store %arg6[%swap3A_332, %swap3A_333], %select_n3A_315 {strides = array<i32>} : memref<3x128xi32, #tpu.memory_space<vmem>>, vector<16xi32>,
        %jit3A_335 = arith.constant 3 : i32
        %eq3A_336 = arith.constant 0 : i32
        %eq3A_337 = arith.cmpi eq, %jit3A_335, %eq3A_336 : i32
        %jit3A_338 = arith.constant 1 : i32
        %select_n3A_339 = arith.select %eq3A_337, %jit3A_338, %jit3A_335 : i32
        %rem3A_340 = arith.remsi %add3A_289, %select_n3A_339 : i32
        %ne3A_341 = arith.constant 0 : i32
        %ne3A_342 = arith.cmpi ne, %rem3A_340, %ne3A_341 : i32
        %lt3A_343 = arith.constant 0 : i32
        %lt3A_344 = arith.cmpi slt, %rem3A_340, %lt3A_343 : i32
        %lt3A_345 = arith.constant 0 : i32
        %lt3A_346 = arith.cmpi slt, %select_n3A_339, %lt3A_345 : i32
        %ne3A_347 = arith.xori %lt3A_344, %lt3A_346 : i1
        %and3A_348 = arith.andi %ne3A_347, %ne3A_342 : i1
        %add3A_349 = arith.addi %rem3A_340, %select_n3A_339 : i32
        %select_n3A_350 = arith.select %and3A_348, %add3A_349, %rem3A_340 : i32
        %get3A_351 = arith.index_cast %select_n3A_350 : i32 to index
        %get3A_352 = arith.constant 16 : index
        %get3A_353 = tpu.vector_load %arg5[%get3A_351, %get3A_352] {strides = array<i32>} : memref<3x128xi32, #tpu.memory_space<vmem>>, vector<16xi32>,
        %ge3A_354 = arith.constant 499712 : i32
        %ge3A_355 = vector.broadcast %ge3A_354 : i32 to vector<16xi32>
        %ge3A_356 = arith.cmpi sge, %get3A_353, %ge3A_355 : vector<16xi32>
        %sub3A_357 = arith.constant 499712 : i32
        %sub3A_358 = vector.broadcast %sub3A_357 : i32 to vector<16xi32>
        %sub3A_359 = arith.subi %get3A_353, %sub3A_358 : vector<16xi32>
        %select_n3A_360 = arith.select %ge3A_356, %sub3A_359, %get3A_353 : vector<16xi1>, vector<16xi32>
        %jit3A_361 = arith.constant 3 : i32
        %eq3A_362 = arith.constant 0 : i32
        %eq3A_363 = arith.cmpi eq, %jit3A_361, %eq3A_362 : i32
        %jit3A_364 = arith.constant 1 : i32
        %select_n3A_365 = arith.select %eq3A_363, %jit3A_364, %jit3A_361 : i32
        %rem3A_366 = arith.remsi %add3A_289, %select_n3A_365 : i32
        %ne3A_367 = arith.constant 0 : i32
        %ne3A_368 = arith.cmpi ne, %rem3A_366, %ne3A_367 : i32
        %lt3A_369 = arith.constant 0 : i32
        %lt3A_370 = arith.cmpi slt, %rem3A_366, %lt3A_369 : i32
        %lt3A_371 = arith.constant 0 : i32
        %lt3A_372 = arith.cmpi slt, %select_n3A_365, %lt3A_371 : i32
        %ne3A_373 = arith.xori %lt3A_370, %lt3A_372 : i1
        %and3A_374 = arith.andi %ne3A_373, %ne3A_368 : i1
        %add3A_375 = arith.addi %rem3A_366, %select_n3A_365 : i32
        %select_n3A_376 = arith.select %and3A_374, %add3A_375, %rem3A_366 : i32
        %swap3A_377 = arith.index_cast %select_n3A_376 : i32 to index
        %swap3A_378 = arith.constant 16 : index
        %swap3A_379 = tpu.vector_load %arg6[%swap3A_377, %swap3A_378] {strides = array<i32>} : memref<3x128xi32, #tpu.memory_space<vmem>>, vector<16xi32>,
        tpu.vector_store %arg6[%swap3A_377, %swap3A_378], %select_n3A_360 {strides = array<i32>} : memref<3x128xi32, #tpu.memory_space<vmem>>, vector<16xi32>,
        %jit3A_380 = arith.constant 3 : i32
        %eq3A_381 = arith.constant 0 : i32
        %eq3A_382 = arith.cmpi eq, %jit3A_380, %eq3A_381 : i32
        %jit3A_383 = arith.constant 1 : i32
        %select_n3A_384 = arith.select %eq3A_382, %jit3A_383, %jit3A_380 : i32
        %rem3A_385 = arith.remsi %add3A_289, %select_n3A_384 : i32
        %ne3A_386 = arith.constant 0 : i32
        %ne3A_387 = arith.cmpi ne, %rem3A_385, %ne3A_386 : i32
        %lt3A_388 = arith.constant 0 : i32
        %lt3A_389 = arith.cmpi slt, %rem3A_385, %lt3A_388 : i32
        %lt3A_390 = arith.constant 0 : i32
        %lt3A_391 = arith.cmpi slt, %select_n3A_384, %lt3A_390 : i32
        %ne3A_392 = arith.xori %lt3A_389, %lt3A_391 : i1
        %and3A_393 = arith.andi %ne3A_392, %ne3A_387 : i1
        %add3A_394 = arith.addi %rem3A_385, %select_n3A_384 : i32
        %select_n3A_395 = arith.select %and3A_393, %add3A_394, %rem3A_385 : i32
        %get3A_396 = arith.index_cast %select_n3A_395 : i32 to index
        %get3A_397 = arith.constant 32 : index
        %get3A_398 = tpu.vector_load %arg5[%get3A_396, %get3A_397] {strides = array<i32>} : memref<3x128xi32, #tpu.memory_space<vmem>>, vector<16xi32>,
        %ge3A_399 = arith.constant 499712 : i32
        %ge3A_400 = vector.broadcast %ge3A_399 : i32 to vector<16xi32>
        %ge3A_401 = arith.cmpi sge, %get3A_398, %ge3A_400 : vector<16xi32>
        %sub3A_402 = arith.constant 499712 : i32
        %sub3A_403 = vector.broadcast %sub3A_402 : i32 to vector<16xi32>
        %sub3A_404 = arith.subi %get3A_398, %sub3A_403 : vector<16xi32>
        %select_n3A_405 = arith.select %ge3A_401, %sub3A_404, %get3A_398 : vector<16xi1>, vector<16xi32>
        %jit3A_406 = arith.constant 3 : i32
        %eq3A_407 = arith.constant 0 : i32
        %eq3A_408 = arith.cmpi eq, %jit3A_406, %eq3A_407 : i32
        %jit3A_409 = arith.constant 1 : i32
        %select_n3A_410 = arith.select %eq3A_408, %jit3A_409, %jit3A_406 : i32
        %rem3A_411 = arith.remsi %add3A_289, %select_n3A_410 : i32
        %ne3A_412 = arith.constant 0 : i32
        %ne3A_413 = arith.cmpi ne, %rem3A_411, %ne3A_412 : i32
        %lt3A_414 = arith.constant 0 : i32
        %lt3A_415 = arith.cmpi slt, %rem3A_411, %lt3A_414 : i32
        %lt3A_416 = arith.constant 0 : i32
        %lt3A_417 = arith.cmpi slt, %select_n3A_410, %lt3A_416 : i32
        %ne3A_418 = arith.xori %lt3A_415, %lt3A_417 : i1
        %and3A_419 = arith.andi %ne3A_418, %ne3A_413 : i1
        %add3A_420 = arith.addi %rem3A_411, %select_n3A_410 : i32
        %select_n3A_421 = arith.select %and3A_419, %add3A_420, %rem3A_411 : i32
        %swap3A_422 = arith.index_cast %select_n3A_421 : i32 to index
        %swap3A_423 = arith.constant 32 : index
        %swap3A_424 = tpu.vector_load %arg6[%swap3A_422, %swap3A_423] {strides = array<i32>} : memref<3x128xi32, #tpu.memory_space<vmem>>, vector<16xi32>,
        tpu.vector_store %arg6[%swap3A_422, %swap3A_423], %select_n3A_405 {strides = array<i32>} : memref<3x128xi32, #tpu.memory_space<vmem>>, vector<16xi32>,
        %jit3A_425 = arith.constant 3 : i32
        %eq3A_426 = arith.constant 0 : i32
        %eq3A_427 = arith.cmpi eq, %jit3A_425, %eq3A_426 : i32
        %jit3A_428 = arith.constant 1 : i32
        %select_n3A_429 = arith.select %eq3A_427, %jit3A_428, %jit3A_425 : i32
        %rem3A_430 = arith.remsi %add3A_289, %select_n3A_429 : i32
        %ne3A_431 = arith.constant 0 : i32
        %ne3A_432 = arith.cmpi ne, %rem3A_430, %ne3A_431 : i32
        %lt3A_433 = arith.constant 0 : i32
        %lt3A_434 = arith.cmpi slt, %rem3A_430, %lt3A_433 : i32
        %lt3A_435 = arith.constant 0 : i32
        %lt3A_436 = arith.cmpi slt, %select_n3A_429, %lt3A_435 : i32
        %ne3A_437 = arith.xori %lt3A_434, %lt3A_436 : i1
        %and3A_438 = arith.andi %ne3A_437, %ne3A_432 : i1
        %add3A_439 = arith.addi %rem3A_430, %select_n3A_429 : i32
        %select_n3A_440 = arith.select %and3A_438, %add3A_439, %rem3A_430 : i32
        %get3A_441 = arith.index_cast %select_n3A_440 : i32 to index
        %get3A_442 = arith.constant 48 : index
        %get3A_443 = tpu.vector_load %arg5[%get3A_441, %get3A_442] {strides = array<i32>} : memref<3x128xi32, #tpu.memory_space<vmem>>, vector<16xi32>,
        %ge3A_444 = arith.constant 499712 : i32
        %ge3A_445 = vector.broadcast %ge3A_444 : i32 to vector<16xi32>
        %ge3A_446 = arith.cmpi sge, %get3A_443, %ge3A_445 : vector<16xi32>
        %sub3A_447 = arith.constant 499712 : i32
        %sub3A_448 = vector.broadcast %sub3A_447 : i32 to vector<16xi32>
        %sub3A_449 = arith.subi %get3A_443, %sub3A_448 : vector<16xi32>
        %select_n3A_450 = arith.select %ge3A_446, %sub3A_449, %get3A_443 : vector<16xi1>, vector<16xi32>
        %jit3A_451 = arith.constant 3 : i32
        %eq3A_452 = arith.constant 0 : i32
        %eq3A_453 = arith.cmpi eq, %jit3A_451, %eq3A_452 : i32
        %jit3A_454 = arith.constant 1 : i32
        %select_n3A_455 = arith.select %eq3A_453, %jit3A_454, %jit3A_451 : i32
        %rem3A_456 = arith.remsi %add3A_289, %select_n3A_455 : i32
        %ne3A_457 = arith.constant 0 : i32
        %ne3A_458 = arith.cmpi ne, %rem3A_456, %ne3A_457 : i32
        %lt3A_459 = arith.constant 0 : i32
        %lt3A_460 = arith.cmpi slt, %rem3A_456, %lt3A_459 : i32
        %lt3A_461 = arith.constant 0 : i32
        %lt3A_462 = arith.cmpi slt, %select_n3A_455, %lt3A_461 : i32
        %ne3A_463 = arith.xori %lt3A_460, %lt3A_462 : i1
        %and3A_464 = arith.andi %ne3A_463, %ne3A_458 : i1
        %add3A_465 = arith.addi %rem3A_456, %select_n3A_455 : i32
        %select_n3A_466 = arith.select %and3A_464, %add3A_465, %rem3A_456 : i32
        %swap3A_467 = arith.index_cast %select_n3A_466 : i32 to index
        %swap3A_468 = arith.constant 48 : index
        %swap3A_469 = tpu.vector_load %arg6[%swap3A_467, %swap3A_468] {strides = array<i32>} : memref<3x128xi32, #tpu.memory_space<vmem>>, vector<16xi32>,
        tpu.vector_store %arg6[%swap3A_467, %swap3A_468], %select_n3A_450 {strides = array<i32>} : memref<3x128xi32, #tpu.memory_space<vmem>>, vector<16xi32>,
        %jit3A_470 = arith.constant 3 : i32
        %eq3A_471 = arith.constant 0 : i32
        %eq3A_472 = arith.cmpi eq, %jit3A_470, %eq3A_471 : i32
        %jit3A_473 = arith.constant 1 : i32
        %select_n3A_474 = arith.select %eq3A_472, %jit3A_473, %jit3A_470 : i32
        %rem3A_475 = arith.remsi %add3A_289, %select_n3A_474 : i32
        %ne3A_476 = arith.constant 0 : i32
        %ne3A_477 = arith.cmpi ne, %rem3A_475, %ne3A_476 : i32
        %lt3A_478 = arith.constant 0 : i32
        %lt3A_479 = arith.cmpi slt, %rem3A_475, %lt3A_478 : i32
        %lt3A_480 = arith.constant 0 : i32
        %lt3A_481 = arith.cmpi slt, %select_n3A_474, %lt3A_480 : i32
        %ne3A_482 = arith.xori %lt3A_479, %lt3A_481 : i1
        %and3A_483 = arith.andi %ne3A_482, %ne3A_477 : i1
        %add3A_484 = arith.addi %rem3A_475, %select_n3A_474 : i32
        %select_n3A_485 = arith.select %and3A_483, %add3A_484, %rem3A_475 : i32
        %get3A_486 = arith.index_cast %select_n3A_485 : i32 to index
        %get3A_487 = arith.constant 64 : index
        %get3A_488 = tpu.vector_load %arg5[%get3A_486, %get3A_487] {strides = array<i32>} : memref<3x128xi32, #tpu.memory_space<vmem>>, vector<16xi32>,
        %ge3A_489 = arith.constant 499712 : i32
        %ge3A_490 = vector.broadcast %ge3A_489 : i32 to vector<16xi32>
        %ge3A_491 = arith.cmpi sge, %get3A_488, %ge3A_490 : vector<16xi32>
        %sub3A_492 = arith.constant 499712 : i32
        %sub3A_493 = vector.broadcast %sub3A_492 : i32 to vector<16xi32>
        %sub3A_494 = arith.subi %get3A_488, %sub3A_493 : vector<16xi32>
        %select_n3A_495 = arith.select %ge3A_491, %sub3A_494, %get3A_488 : vector<16xi1>, vector<16xi32>
        %jit3A_496 = arith.constant 3 : i32
        %eq3A_497 = arith.constant 0 : i32
        %eq3A_498 = arith.cmpi eq, %jit3A_496, %eq3A_497 : i32
        %jit3A_499 = arith.constant 1 : i32
        %select_n3A_500 = arith.select %eq3A_498, %jit3A_499, %jit3A_496 : i32
        %rem3A_501 = arith.remsi %add3A_289, %select_n3A_500 : i32
        %ne3A_502 = arith.constant 0 : i32
        %ne3A_503 = arith.cmpi ne, %rem3A_501, %ne3A_502 : i32
        %lt3A_504 = arith.constant 0 : i32
        %lt3A_505 = arith.cmpi slt, %rem3A_501, %lt3A_504 : i32
        %lt3A_506 = arith.constant 0 : i32
        %lt3A_507 = arith.cmpi slt, %select_n3A_500, %lt3A_506 : i32
        %ne3A_508 = arith.xori %lt3A_505, %lt3A_507 : i1
        %and3A_509 = arith.andi %ne3A_508, %ne3A_503 : i1
        %add3A_510 = arith.addi %rem3A_501, %select_n3A_500 : i32
        %select_n3A_511 = arith.select %and3A_509, %add3A_510, %rem3A_501 : i32
        %swap3A_512 = arith.index_cast %select_n3A_511 : i32 to index
        %swap3A_513 = arith.constant 64 : index
        %swap3A_514 = tpu.vector_load %arg6[%swap3A_512, %swap3A_513] {strides = array<i32>} : memref<3x128xi32, #tpu.memory_space<vmem>>, vector<16xi32>,
        tpu.vector_store %arg6[%swap3A_512, %swap3A_513], %select_n3A_495 {strides = array<i32>} : memref<3x128xi32, #tpu.memory_space<vmem>>, vector<16xi32>,
        %jit3A_515 = arith.constant 3 : i32
        %eq3A_516 = arith.constant 0 : i32
        %eq3A_517 = arith.cmpi eq, %jit3A_515, %eq3A_516 : i32
        %jit3A_518 = arith.constant 1 : i32
        %select_n3A_519 = arith.select %eq3A_517, %jit3A_518, %jit3A_515 : i32
        %rem3A_520 = arith.remsi %add3A_289, %select_n3A_519 : i32
        %ne3A_521 = arith.constant 0 : i32
        %ne3A_522 = arith.cmpi ne, %rem3A_520, %ne3A_521 : i32
        %lt3A_523 = arith.constant 0 : i32
        %lt3A_524 = arith.cmpi slt, %rem3A_520, %lt3A_523 : i32
        %lt3A_525 = arith.constant 0 : i32
        %lt3A_526 = arith.cmpi slt, %select_n3A_519, %lt3A_525 : i32
        %ne3A_527 = arith.xori %lt3A_524, %lt3A_526 : i1
        %and3A_528 = arith.andi %ne3A_527, %ne3A_522 : i1
        %add3A_529 = arith.addi %rem3A_520, %select_n3A_519 : i32
        %select_n3A_530 = arith.select %and3A_528, %add3A_529, %rem3A_520 : i32
        %get3A_531 = arith.index_cast %select_n3A_530 : i32 to index
        %get3A_532 = arith.constant 80 : index
        %get3A_533 = tpu.vector_load %arg5[%get3A_531, %get3A_532] {strides = array<i32>} : memref<3x128xi32, #tpu.memory_space<vmem>>, vector<16xi32>,
        %ge3A_534 = arith.constant 499712 : i32
        %ge3A_535 = vector.broadcast %ge3A_534 : i32 to vector<16xi32>
        %ge3A_536 = arith.cmpi sge, %get3A_533, %ge3A_535 : vector<16xi32>
        %sub3A_537 = arith.constant 499712 : i32
        %sub3A_538 = vector.broadcast %sub3A_537 : i32 to vector<16xi32>
        %sub3A_539 = arith.subi %get3A_533, %sub3A_538 : vector<16xi32>
        %select_n3A_540 = arith.select %ge3A_536, %sub3A_539, %get3A_533 : vector<16xi1>, vector<16xi32>
        %jit3A_541 = arith.constant 3 : i32
        %eq3A_542 = arith.constant 0 : i32
        %eq3A_543 = arith.cmpi eq, %jit3A_541, %eq3A_542 : i32
        %jit3A_544 = arith.constant 1 : i32
        %select_n3A_545 = arith.select %eq3A_543, %jit3A_544, %jit3A_541 : i32
        %rem3A_546 = arith.remsi %add3A_289, %select_n3A_545 : i32
        %ne3A_547 = arith.constant 0 : i32
        %ne3A_548 = arith.cmpi ne, %rem3A_546, %ne3A_547 : i32
        %lt3A_549 = arith.constant 0 : i32
        %lt3A_550 = arith.cmpi slt, %rem3A_546, %lt3A_549 : i32
        %lt3A_551 = arith.constant 0 : i32
        %lt3A_552 = arith.cmpi slt, %select_n3A_545, %lt3A_551 : i32
        %ne3A_553 = arith.xori %lt3A_550, %lt3A_552 : i1
        %and3A_554 = arith.andi %ne3A_553, %ne3A_548 : i1
        %add3A_555 = arith.addi %rem3A_546, %select_n3A_545 : i32
        %select_n3A_556 = arith.select %and3A_554, %add3A_555, %rem3A_546 : i32
        %swap3A_557 = arith.index_cast %select_n3A_556 : i32 to index
        %swap3A_558 = arith.constant 80 : index
        %swap3A_559 = tpu.vector_load %arg6[%swap3A_557, %swap3A_558] {strides = array<i32>} : memref<3x128xi32, #tpu.memory_space<vmem>>, vector<16xi32>,
        tpu.vector_store %arg6[%swap3A_557, %swap3A_558], %select_n3A_540 {strides = array<i32>} : memref<3x128xi32, #tpu.memory_space<vmem>>, vector<16xi32>,
        %jit3A_560 = arith.constant 3 : i32
        %eq3A_561 = arith.constant 0 : i32
        %eq3A_562 = arith.cmpi eq, %jit3A_560, %eq3A_561 : i32
        %jit3A_563 = arith.constant 1 : i32
        %select_n3A_564 = arith.select %eq3A_562, %jit3A_563, %jit3A_560 : i32
        %rem3A_565 = arith.remsi %add3A_289, %select_n3A_564 : i32
        %ne3A_566 = arith.constant 0 : i32
        %ne3A_567 = arith.cmpi ne, %rem3A_565, %ne3A_566 : i32
        %lt3A_568 = arith.constant 0 : i32
        %lt3A_569 = arith.cmpi slt, %rem3A_565, %lt3A_568 : i32
        %lt3A_570 = arith.constant 0 : i32
        %lt3A_571 = arith.cmpi slt, %select_n3A_564, %lt3A_570 : i32
        %ne3A_572 = arith.xori %lt3A_569, %lt3A_571 : i1
        %and3A_573 = arith.andi %ne3A_572, %ne3A_567 : i1
        %add3A_574 = arith.addi %rem3A_565, %select_n3A_564 : i32
        %select_n3A_575 = arith.select %and3A_573, %add3A_574, %rem3A_565 : i32
        %get3A_576 = arith.index_cast %select_n3A_575 : i32 to index
        %get3A_577 = arith.constant 96 : index
        %get3A_578 = tpu.vector_load %arg5[%get3A_576, %get3A_577] {strides = array<i32>} : memref<3x128xi32, #tpu.memory_space<vmem>>, vector<16xi32>,
        %ge3A_579 = arith.constant 499712 : i32
        %ge3A_580 = vector.broadcast %ge3A_579 : i32 to vector<16xi32>
        %ge3A_581 = arith.cmpi sge, %get3A_578, %ge3A_580 : vector<16xi32>
        %sub3A_582 = arith.constant 499712 : i32
        %sub3A_583 = vector.broadcast %sub3A_582 : i32 to vector<16xi32>
        %sub3A_584 = arith.subi %get3A_578, %sub3A_583 : vector<16xi32>
        %select_n3A_585 = arith.select %ge3A_581, %sub3A_584, %get3A_578 : vector<16xi1>, vector<16xi32>
        %jit3A_586 = arith.constant 3 : i32
        %eq3A_587 = arith.constant 0 : i32
        %eq3A_588 = arith.cmpi eq, %jit3A_586, %eq3A_587 : i32
        %jit3A_589 = arith.constant 1 : i32
        %select_n3A_590 = arith.select %eq3A_588, %jit3A_589, %jit3A_586 : i32
        %rem3A_591 = arith.remsi %add3A_289, %select_n3A_590 : i32
        %ne3A_592 = arith.constant 0 : i32
        %ne3A_593 = arith.cmpi ne, %rem3A_591, %ne3A_592 : i32
        %lt3A_594 = arith.constant 0 : i32
        %lt3A_595 = arith.cmpi slt, %rem3A_591, %lt3A_594 : i32
        %lt3A_596 = arith.constant 0 : i32
        %lt3A_597 = arith.cmpi slt, %select_n3A_590, %lt3A_596 : i32
        %ne3A_598 = arith.xori %lt3A_595, %lt3A_597 : i1
        %and3A_599 = arith.andi %ne3A_598, %ne3A_593 : i1
        %add3A_600 = arith.addi %rem3A_591, %select_n3A_590 : i32
        %select_n3A_601 = arith.select %and3A_599, %add3A_600, %rem3A_591 : i32
        %swap3A_602 = arith.index_cast %select_n3A_601 : i32 to index
        %swap3A_603 = arith.constant 96 : index
        %swap3A_604 = tpu.vector_load %arg6[%swap3A_602, %swap3A_603] {strides = array<i32>} : memref<3x128xi32, #tpu.memory_space<vmem>>, vector<16xi32>,
        tpu.vector_store %arg6[%swap3A_602, %swap3A_603], %select_n3A_585 {strides = array<i32>} : memref<3x128xi32, #tpu.memory_space<vmem>>, vector<16xi32>,
        %jit3A_605 = arith.constant 3 : i32
        %eq3A_606 = arith.constant 0 : i32
        %eq3A_607 = arith.cmpi eq, %jit3A_605, %eq3A_606 : i32
        %jit3A_608 = arith.constant 1 : i32
        %select_n3A_609 = arith.select %eq3A_607, %jit3A_608, %jit3A_605 : i32
        %rem3A_610 = arith.remsi %add3A_289, %select_n3A_609 : i32
        %ne3A_611 = arith.constant 0 : i32
        %ne3A_612 = arith.cmpi ne, %rem3A_610, %ne3A_611 : i32
        %lt3A_613 = arith.constant 0 : i32
        %lt3A_614 = arith.cmpi slt, %rem3A_610, %lt3A_613 : i32
        %lt3A_615 = arith.constant 0 : i32
        %lt3A_616 = arith.cmpi slt, %select_n3A_609, %lt3A_615 : i32
        %ne3A_617 = arith.xori %lt3A_614, %lt3A_616 : i1
        %and3A_618 = arith.andi %ne3A_617, %ne3A_612 : i1
        %add3A_619 = arith.addi %rem3A_610, %select_n3A_609 : i32
        %select_n3A_620 = arith.select %and3A_618, %add3A_619, %rem3A_610 : i32
        %get3A_621 = arith.index_cast %select_n3A_620 : i32 to index
        %get3A_622 = arith.constant 112 : index
        %get3A_623 = tpu.vector_load %arg5[%get3A_621, %get3A_622] {strides = array<i32>} : memref<3x128xi32, #tpu.memory_space<vmem>>, vector<16xi32>,
        %ge3A_624 = arith.constant 499712 : i32
        %ge3A_625 = vector.broadcast %ge3A_624 : i32 to vector<16xi32>
        %ge3A_626 = arith.cmpi sge, %get3A_623, %ge3A_625 : vector<16xi32>
        %sub3A_627 = arith.constant 499712 : i32
        %sub3A_628 = vector.broadcast %sub3A_627 : i32 to vector<16xi32>
        %sub3A_629 = arith.subi %get3A_623, %sub3A_628 : vector<16xi32>
        %select_n3A_630 = arith.select %ge3A_626, %sub3A_629, %get3A_623 : vector<16xi1>, vector<16xi32>
        %jit3A_631 = arith.constant 3 : i32
        %eq3A_632 = arith.constant 0 : i32
        %eq3A_633 = arith.cmpi eq, %jit3A_631, %eq3A_632 : i32
        %jit3A_634 = arith.constant 1 : i32
        %select_n3A_635 = arith.select %eq3A_633, %jit3A_634, %jit3A_631 : i32
        %rem3A_636 = arith.remsi %add3A_289, %select_n3A_635 : i32
        %ne3A_637 = arith.constant 0 : i32
        %ne3A_638 = arith.cmpi ne, %rem3A_636, %ne3A_637 : i32
        %lt3A_639 = arith.constant 0 : i32
        %lt3A_640 = arith.cmpi slt, %rem3A_636, %lt3A_639 : i32
        %lt3A_641 = arith.constant 0 : i32
        %lt3A_642 = arith.cmpi slt, %select_n3A_635, %lt3A_641 : i32
        %ne3A_643 = arith.xori %lt3A_640, %lt3A_642 : i1
        %and3A_644 = arith.andi %ne3A_643, %ne3A_638 : i1
        %add3A_645 = arith.addi %rem3A_636, %select_n3A_635 : i32
        %select_n3A_646 = arith.select %and3A_644, %add3A_645, %rem3A_636 : i32
        %swap3A_647 = arith.index_cast %select_n3A_646 : i32 to index
        %swap3A_648 = arith.constant 112 : index
        %swap3A_649 = tpu.vector_load %arg6[%swap3A_647, %swap3A_648] {strides = array<i32>} : memref<3x128xi32, #tpu.memory_space<vmem>>, vector<16xi32>,
        tpu.vector_store %arg6[%swap3A_647, %swap3A_648], %select_n3A_630 {strides = array<i32>} : memref<3x128xi32, #tpu.memory_space<vmem>>, vector<16xi32>,
        %ge3A_650 = arith.constant 1 : i32
        %ge3A_651 = arith.cmpi sge, %add3A_189, %ge3A_650 : i32
        %convert_element_type3A_652 = arith.extui %ge3A_651 : i1 to i32
        %cond3A_653 = arith.constant 0 : i32
        %cond3A_654 = arith.cmpi ne, %convert_element_type3A_652, %cond3A_653 : i32
        scf.if %cond3A_654 {
          %sub3A_684 = arith.constant 1 : i32
          %sub3A_685 = arith.subi %add3A_189, %sub3A_684 : i32
          %dma_wait3A_686 = arith.constant 1 : i32
          %dma_wait3A_687 = arith.constant 0 : i32
          %dma_wait3A_688 = arith.constant 0 : i32
          %dma_wait3A_689 = tpu.memref_slice %arg7[%dma_wait3A_686, %dma_wait3A_687, %dma_wait3A_688] : memref<2x128x128xf32, #tpu.memory_space<vmem>> -> memref<1x128x128xf32, #tpu.memory_space<vmem>>
          %dma_wait3A_690 = tpu.memref_squeeze %dma_wait3A_689 : memref<1x128x128xf32, #tpu.memory_space<vmem>> -> memref<128x128xf32, #tpu.memory_space<vmem>>
          %dma_wait3A_691 = arith.constant 0 : i32
          %dma_wait3A_692 = tpu.memref_slice %arg4[%sub3A_685, %mul3A_2, %dma_wait3A_691] : memref<200x4096x128xf32, #tpu.memory_space<hbm>> -> memref<1x128x128xf32, #tpu.memory_space<hbm>>
          %dma_wait3A_693 = tpu.memref_squeeze %dma_wait3A_692 : memref<1x128x128xf32, #tpu.memory_space<hbm>> -> memref<128x128xf32, #tpu.memory_space<hbm>>
          %dma_wait3A_694 = arith.constant 0 : i32
          %dma_wait3A_695 = tpu.memref_slice %arg4[%sub3A_685, %mul3A_2, %dma_wait3A_694] : memref<200x4096x128xf32, #tpu.memory_space<hbm>> -> memref<1x128x128xf32, #tpu.memory_space<hbm>>
          %dma_wait3A_696 = tpu.memref_squeeze %dma_wait3A_695 : memref<1x128x128xf32, #tpu.memory_space<hbm>> -> memref<128x128xf32, #tpu.memory_space<hbm>>
          %dma_wait3A_697 = arith.constant 0 : i32
          %dma_wait3A_698 = arith.constant 0 : i32
          %dma_wait3A_699 = tpu.memref_slice %arg7[%dma_wait3A_686, %dma_wait3A_697, %dma_wait3A_698] : memref<2x128x128xf32, #tpu.memory_space<vmem>> -> memref<1x128x128xf32, #tpu.memory_space<vmem>>
          %dma_wait3A_700 = tpu.memref_squeeze %dma_wait3A_699 : memref<1x128x128xf32, #tpu.memory_space<vmem>> -> memref<128x128xf32, #tpu.memory_space<vmem>>
          tpu.wait_dma2 semaphore(%arg10 : memref<!tpu.dma_semaphore, #tpu.memory_space<semaphore_mem>>) src(%dma_wait3A_700 : memref<128x128xf32, #tpu.memory_space<vmem>>) dst(%dma_wait3A_696 : memref<128x128xf32, #tpu.memory_space<hbm>>)
        } else {
        }
        %add3A_655 = arith.constant 1 : i32
        %add3A_656 = arith.addi %add3A_189, %add3A_655 : i32
        %jit3A_657 = arith.constant 3 : i32
        %eq3A_658 = arith.constant 0 : i32
        %eq3A_659 = arith.cmpi eq, %jit3A_657, %eq3A_658 : i32
        %jit3A_660 = arith.constant 1 : i32
        %select_n3A_661 = arith.select %eq3A_659, %jit3A_660, %jit3A_657 : i32
        %rem3A_662 = arith.remsi %add3A_656, %select_n3A_661 : i32
        %ne3A_663 = arith.constant 0 : i32
        %ne3A_664 = arith.cmpi ne, %rem3A_662, %ne3A_663 : i32
        %lt3A_665 = arith.constant 0 : i32
        %lt3A_666 = arith.cmpi slt, %rem3A_662, %lt3A_665 : i32
        %lt3A_667 = arith.constant 0 : i32
        %lt3A_668 = arith.cmpi slt, %select_n3A_661, %lt3A_667 : i32
        %ne3A_669 = arith.xori %lt3A_666, %lt3A_668 : i1
        %and3A_670 = arith.andi %ne3A_669, %ne3A_664 : i1
        %add3A_671 = arith.addi %rem3A_662, %select_n3A_661 : i32
        %select_n3A_672 = arith.select %and3A_670, %add3A_671, %rem3A_662 : i32
        %dma_start3A_673 = arith.constant 1 : i32
        %dma_start3A_674 = arith.constant 0 : i32
        %dma_start3A_675 = arith.constant 0 : i32
        %dma_start3A_676 = tpu.memref_slice %arg7[%dma_start3A_673, %dma_start3A_674, %dma_start3A_675] : memref<2x128x128xf32, #tpu.memory_space<vmem>> -> memref<1x128x128xf32, #tpu.memory_space<vmem>>
        %dma_start3A_677 = tpu.memref_squeeze %dma_start3A_676 : memref<1x128x128xf32, #tpu.memory_space<vmem>> -> memref<128x128xf32, #tpu.memory_space<vmem>>
        %dma_start3A_678 = arith.constant 0 : i32
        %dma_start3A_679 = tpu.memref_slice %arg6[%select_n3A_672, %dma_start3A_678] : memref<3x128xi32, #tpu.memory_space<vmem>> -> memref<1x128xi32, #tpu.memory_space<vmem>>
        %dma_start3A_680 = tpu.memref_squeeze %dma_start3A_679 : memref<1x128xi32, #tpu.memory_space<vmem>> -> memref<128xi32, #tpu.memory_space<vmem>>
        %dma_start3A_681 = arith.constant 0 : i32
        %dma_start3A_682 = arith.constant 0 : i32
        %dma_start3A_683 = tpu.memref_slice %arg3[%dma_start3A_681, %dma_start3A_682] : memref<500288x128xf32, #tpu.memory_space<hbm>> -> memref<500288x128xf32, #tpu.memory_space<hbm>>
        tpu.enqueue_indirect_dma source(%dma_start3A_683 : memref<500288x128xf32, #tpu.memory_space<hbm>>) target(%dma_start3A_677 : memref<128x128xf32, #tpu.memory_space<vmem>>) offsets(%dma_start3A_680 : memref<128xi32, #tpu.memory_space<vmem>>) semaphore(%arg9 : memref<!tpu.dma_semaphore, #tpu.memory_space<semaphore_mem>>)
      } else {
      }
      %lt3A_192 = arith.constant 198 : i32
      %lt3A_193 = arith.cmpi slt, %add3A_189, %lt3A_192 : i32
      %convert_element_type3A_194 = arith.extui %lt3A_193 : i1 to i32
      %cond3A_195 = arith.constant 0 : i32
      %cond3A_196 = arith.cmpi ne, %convert_element_type3A_194, %cond3A_195 : i32
      scf.if %cond3A_196 {
        %add3A_265 = arith.constant 2 : i32
        %add3A_266 = arith.addi %add3A_189, %add3A_265 : i32
        %jit3A = arith.constant 3 : i32
        %eq3A = arith.constant 0 : i32
        %eq3A_267 = arith.cmpi eq, %jit3A, %eq3A : i32
        %jit3A_268 = arith.constant 1 : i32
        %select_n3A_269 = arith.select %eq3A_267, %jit3A_268, %jit3A : i32
        %rem3A = arith.remsi %add3A_266, %select_n3A_269 : i32
        %ne3A = arith.constant 0 : i32
        %ne3A_270 = arith.cmpi ne, %rem3A, %ne3A : i32
        %lt3A_271 = arith.constant 0 : i32
        %lt3A_272 = arith.cmpi slt, %rem3A, %lt3A_271 : i32
        %lt3A_273 = arith.constant 0 : i32
        %lt3A_274 = arith.cmpi slt, %select_n3A_269, %lt3A_273 : i32
        %ne3A_275 = arith.xori %lt3A_272, %lt3A_274 : i1
        %and3A = arith.andi %ne3A_275, %ne3A_270 : i1
        %add3A_276 = arith.addi %rem3A, %select_n3A_269 : i32
        %select_n3A_277 = arith.select %and3A, %add3A_276, %rem3A : i32
        %dma_start3A_278 = arith.constant 0 : i32
        %dma_start3A_279 = tpu.memref_slice %arg5[%select_n3A_277, %dma_start3A_278] : memref<3x128xi32, #tpu.memory_space<vmem>> -> memref<1x128xi32, #tpu.memory_space<vmem>>
        %dma_start3A_280 = tpu.memref_squeeze %dma_start3A_279 : memref<1x128xi32, #tpu.memory_space<vmem>> -> memref<128xi32, #tpu.memory_space<vmem>>
        %dma_start3A_281 = tpu.memref_slice %arg2[%add3A_266, %mul3A_2] : memref<200x4096xi32, #tpu.memory_space<hbm>> -> memref<1x128xi32, #tpu.memory_space<hbm>>
        %dma_start3A_282 = tpu.memref_squeeze %dma_start3A_281 : memref<1x128xi32, #tpu.memory_space<hbm>> -> memref<128xi32, #tpu.memory_space<hbm>>
        %dma_start3A_283 = arith.constant 0 : i32
        %dma_start3A_284 = tpu.memref_slice %arg5[%select_n3A_277, %dma_start3A_283] : memref<3x128xi32, #tpu.memory_space<vmem>> -> memref<1x128xi32, #tpu.memory_space<vmem>>
        %dma_start3A_285 = tpu.memref_squeeze %dma_start3A_284 : memref<1x128xi32, #tpu.memory_space<vmem>> -> memref<128xi32, #tpu.memory_space<vmem>>
        %dma_start3A_286 = tpu.memref_slice %arg2[%add3A_266, %mul3A_2] : memref<200x4096xi32, #tpu.memory_space<hbm>> -> memref<1x128xi32, #tpu.memory_space<hbm>>
        %dma_start3A_287 = tpu.memref_squeeze %dma_start3A_286 : memref<1x128xi32, #tpu.memory_space<hbm>> -> memref<128xi32, #tpu.memory_space<hbm>>
        tpu.enqueue_dma source(%dma_start3A_287 : memref<128xi32, #tpu.memory_space<hbm>>) target(%dma_start3A_285 : memref<128xi32, #tpu.memory_space<vmem>>) target_semaphore(%arg8 : memref<!tpu.dma_semaphore, #tpu.memory_space<semaphore_mem>>)
      } else {
      }
      %dma_wait3A_197 = arith.constant 0 : i32
      %dma_wait3A_198 = arith.constant 0 : i32
      %dma_wait3A_199 = arith.constant 0 : i32
      %dma_wait3A_200 = arith.constant 0 : i32
      %dma_wait3A_201 = tpu.memref_slice %arg7[%dma_wait3A_198, %dma_wait3A_199, %dma_wait3A_200] : memref<2x128x128xf32, #tpu.memory_space<vmem>> -> memref<1x128x128xf32, #tpu.memory_space<vmem>>
      %dma_wait3A_202 = tpu.memref_squeeze %dma_wait3A_201 : memref<1x128x128xf32, #tpu.memory_space<vmem>> -> memref<128x128xf32, #tpu.memory_space<vmem>>
      %dma_wait3A_203 = arith.constant 0 : i32
      %dma_wait3A_204 = tpu.memref_slice %arg6[%dma_wait3A_197, %dma_wait3A_203] : memref<3x128xi32, #tpu.memory_space<vmem>> -> memref<1x128xi32, #tpu.memory_space<vmem>>
      %dma_wait3A_205 = tpu.memref_squeeze %dma_wait3A_204 : memref<1x128xi32, #tpu.memory_space<vmem>> -> memref<128xi32, #tpu.memory_space<vmem>>
      %dma_wait3A_206 = arith.constant 0 : i32
      %dma_wait3A_207 = arith.constant 0 : i32
      %dma_wait3A_208 = tpu.memref_slice %arg3[%dma_wait3A_206, %dma_wait3A_207] : memref<500288x128xf32, #tpu.memory_space<hbm>> -> memref<500288x128xf32, #tpu.memory_space<hbm>>
      tpu.wait_indirect_dma semaphore(%arg9 : memref<!tpu.dma_semaphore, #tpu.memory_space<semaphore_mem>>) src(%dma_wait3A_208 : memref<500288x128xf32, #tpu.memory_space<hbm>>) dst(%dma_wait3A_202 : memref<128x128xf32, #tpu.memory_space<vmem>>)
      %dma_start3A_209 = arith.constant 0 : i32
      %dma_start3A_210 = arith.constant 0 : i32
      %dma_start3A_211 = arith.constant 0 : i32
      %dma_start3A_212 = tpu.memref_slice %arg7[%dma_start3A_209, %dma_start3A_210, %dma_start3A_211] : memref<2x128x128xf32, #tpu.memory_space<vmem>> -> memref<1x128x128xf32, #tpu.memory_space<vmem>>
      %dma_start3A_213 = tpu.memref_squeeze %dma_start3A_212 : memref<1x128x128xf32, #tpu.memory_space<vmem>> -> memref<128x128xf32, #tpu.memory_space<vmem>>
      %dma_start3A_214 = arith.constant 0 : i32
      %dma_start3A_215 = tpu.memref_slice %arg4[%add3A_189, %mul3A_2, %dma_start3A_214] : memref<200x4096x128xf32, #tpu.memory_space<hbm>> -> memref<1x128x128xf32, #tpu.memory_space<hbm>>
      %dma_start3A_216 = tpu.memref_squeeze %dma_start3A_215 : memref<1x128x128xf32, #tpu.memory_space<hbm>> -> memref<128x128xf32, #tpu.memory_space<hbm>>
      %dma_start3A_217 = arith.constant 0 : i32
      %dma_start3A_218 = tpu.memref_slice %arg4[%add3A_189, %mul3A_2, %dma_start3A_217] : memref<200x4096x128xf32, #tpu.memory_space<hbm>> -> memref<1x128x128xf32, #tpu.memory_space<hbm>>
      %dma_start3A_219 = tpu.memref_squeeze %dma_start3A_218 : memref<1x128x128xf32, #tpu.memory_space<hbm>> -> memref<128x128xf32, #tpu.memory_space<hbm>>
      %dma_start3A_220 = arith.constant 0 : i32
      %dma_start3A_221 = arith.constant 0 : i32
      %dma_start3A_222 = tpu.memref_slice %arg7[%dma_start3A_209, %dma_start3A_220, %dma_start3A_221] : memref<2x128x128xf32, #tpu.memory_space<vmem>> -> memref<1x128x128xf32, #tpu.memory_space<vmem>>
      %dma_start3A_223 = tpu.memref_squeeze %dma_start3A_222 : memref<1x128x128xf32, #tpu.memory_space<vmem>> -> memref<128x128xf32, #tpu.memory_space<vmem>>
      tpu.enqueue_dma source(%dma_start3A_223 : memref<128x128xf32, #tpu.memory_space<vmem>>) target(%dma_start3A_219 : memref<128x128xf32, #tpu.memory_space<hbm>>) target_semaphore(%arg10 : memref<!tpu.dma_semaphore, #tpu.memory_space<semaphore_mem>>)
      %mul3A_224 = arith.constant 2 : i32
      %mul3A_225 = arith.muli %scan3A_185, %mul3A_224 : i32
      %add3A_226 = arith.constant 1 : i32
      %add3A_227 = arith.addi %mul3A_225, %add3A_226 : i32
      %lt3A_228 = arith.constant 199 : i32
      %lt3A_229 = arith.cmpi slt, %add3A_227, %lt3A_228 : i32
      %convert_element_type3A_230 = arith.extui %lt3A_229 : i1 to i32
      %cond3A_231 = arith.constant 0 : i32
      %cond3A_232 = arith.cmpi ne, %convert_element_type3A_230, %cond3A_231 : i32
      scf.if %cond3A_232 {
        %add3A_265 = arith.constant 1 : i32
        %add3A_266 = arith.addi %add3A_227, %add3A_265 : i32
        %jit3A = arith.constant 3 : i32
        %eq3A = arith.constant 0 : i32
        %eq3A_267 = arith.cmpi eq, %jit3A, %eq3A : i32
        %jit3A_268 = arith.constant 1 : i32
        %select_n3A_269 = arith.select %eq3A_267, %jit3A_268, %jit3A : i32
        %rem3A = arith.remsi %add3A_266, %select_n3A_269 : i32
        %ne3A = arith.constant 0 : i32
        %ne3A_270 = arith.cmpi ne, %rem3A, %ne3A : i32
        %lt3A_271 = arith.constant 0 : i32
        %lt3A_272 = arith.cmpi slt, %rem3A, %lt3A_271 : i32
        %lt3A_273 = arith.constant 0 : i32
        %lt3A_274 = arith.cmpi slt, %select_n3A_269, %lt3A_273 : i32
        %ne3A_275 = arith.xori %lt3A_272, %lt3A_274 : i1
        %and3A = arith.andi %ne3A_275, %ne3A_270 : i1
        %add3A_276 = arith.addi %rem3A, %select_n3A_269 : i32
        %select_n3A_277 = arith.select %and3A, %add3A_276, %rem3A : i32
        %dma_wait3A_278 = arith.constant 0 : i32
        %dma_wait3A_279 = tpu.memref_slice %arg5[%select_n3A_277, %dma_wait3A_278] : memref<3x128xi32, #tpu.memory_space<vmem>> -> memref<1x128xi32, #tpu.memory_space<vmem>>
        %dma_wait3A_280 = tpu.memref_squeeze %dma_wait3A_279 : memref<1x128xi32, #tpu.memory_space<vmem>> -> memref<128xi32, #tpu.memory_space<vmem>>
        %dma_wait3A_281 = tpu.memref_slice %arg2[%add3A_266, %mul3A_2] : memref<200x4096xi32, #tpu.memory_space<hbm>> -> memref<1x128xi32, #tpu.memory_space<hbm>>
        %dma_wait3A_282 = tpu.memref_squeeze %dma_wait3A_281 : memref<1x128xi32, #tpu.memory_space<hbm>> -> memref<128xi32, #tpu.memory_space<hbm>>
        %dma_wait3A_283 = arith.constant 0 : i32
        %dma_wait3A_284 = tpu.memref_slice %arg5[%select_n3A_277, %dma_wait3A_283] : memref<3x128xi32, #tpu.memory_space<vmem>> -> memref<1x128xi32, #tpu.memory_space<vmem>>
        %dma_wait3A_285 = tpu.memref_squeeze %dma_wait3A_284 : memref<1x128xi32, #tpu.memory_space<vmem>> -> memref<128xi32, #tpu.memory_space<vmem>>
        %dma_wait3A_286 = tpu.memref_slice %arg2[%add3A_266, %mul3A_2] : memref<200x4096xi32, #tpu.memory_space<hbm>> -> memref<1x128xi32, #tpu.memory_space<hbm>>
        %dma_wait3A_287 = tpu.memref_squeeze %dma_wait3A_286 : memref<1x128xi32, #tpu.memory_space<hbm>> -> memref<128xi32, #tpu.memory_space<hbm>>
        tpu.wait_dma2 semaphore(%arg8 : memref<!tpu.dma_semaphore, #tpu.memory_space<semaphore_mem>>) src(%dma_wait3A_287 : memref<128xi32, #tpu.memory_space<hbm>>) dst(%dma_wait3A_285 : memref<128xi32, #tpu.memory_space<vmem>>)
        %add3A_288 = arith.constant 1 : i32
        %add3A_289 = arith.addi %add3A_227, %add3A_288 : i32
        %jit3A_290 = arith.constant 3 : i32
        %eq3A_291 = arith.constant 0 : i32
        %eq3A_292 = arith.cmpi eq, %jit3A_290, %eq3A_291 : i32
        %jit3A_293 = arith.constant 1 : i32
        %select_n3A_294 = arith.select %eq3A_292, %jit3A_293, %jit3A_290 : i32
        %rem3A_295 = arith.remsi %add3A_289, %select_n3A_294 : i32
        %ne3A_296 = arith.constant 0 : i32
        %ne3A_297 = arith.cmpi ne, %rem3A_295, %ne3A_296 : i32
        %lt3A_298 = arith.constant 0 : i32
        %lt3A_299 = arith.cmpi slt, %rem3A_295, %lt3A_298 : i32
        %lt3A_300 = arith.constant 0 : i32
        %lt3A_301 = arith.cmpi slt, %select_n3A_294, %lt3A_300 : i32
        %ne3A_302 = arith.xori %lt3A_299, %lt3A_301 : i1
        %and3A_303 = arith.andi %ne3A_302, %ne3A_297 : i1
        %add3A_304 = arith.addi %rem3A_295, %select_n3A_294 : i32
        %select_n3A_305 = arith.select %and3A_303, %add3A_304, %rem3A_295 : i32
        %get3A_306 = arith.index_cast %select_n3A_305 : i32 to index
        %get3A_307 = arith.constant 0 : index
        %get3A_308 = tpu.vector_load %arg5[%get3A_306, %get3A_307] {strides = array<i32>} : memref<3x128xi32, #tpu.memory_space<vmem>>, vector<16xi32>,
        %ge3A_309 = arith.constant 499712 : i32
        %ge3A_310 = vector.broadcast %ge3A_309 : i32 to vector<16xi32>
        %ge3A_311 = arith.cmpi sge, %get3A_308, %ge3A_310 : vector<16xi32>
        %sub3A_312 = arith.constant 499712 : i32
        %sub3A_313 = vector.broadcast %sub3A_312 : i32 to vector<16xi32>
        %sub3A_314 = arith.subi %get3A_308, %sub3A_313 : vector<16xi32>
        %select_n3A_315 = arith.select %ge3A_311, %sub3A_314, %get3A_308 : vector<16xi1>, vector<16xi32>
        %jit3A_316 = arith.constant 3 : i32
        %eq3A_317 = arith.constant 0 : i32
        %eq3A_318 = arith.cmpi eq, %jit3A_316, %eq3A_317 : i32
        %jit3A_319 = arith.constant 1 : i32
        %select_n3A_320 = arith.select %eq3A_318, %jit3A_319, %jit3A_316 : i32
        %rem3A_321 = arith.remsi %add3A_289, %select_n3A_320 : i32
        %ne3A_322 = arith.constant 0 : i32
        %ne3A_323 = arith.cmpi ne, %rem3A_321, %ne3A_322 : i32
        %lt3A_324 = arith.constant 0 : i32
        %lt3A_325 = arith.cmpi slt, %rem3A_321, %lt3A_324 : i32
        %lt3A_326 = arith.constant 0 : i32
        %lt3A_327 = arith.cmpi slt, %select_n3A_320, %lt3A_326 : i32
        %ne3A_328 = arith.xori %lt3A_325, %lt3A_327 : i1
        %and3A_329 = arith.andi %ne3A_328, %ne3A_323 : i1
        %add3A_330 = arith.addi %rem3A_321, %select_n3A_320 : i32
        %select_n3A_331 = arith.select %and3A_329, %add3A_330, %rem3A_321 : i32
        %swap3A_332 = arith.index_cast %select_n3A_331 : i32 to index
        %swap3A_333 = arith.constant 0 : index
        %swap3A_334 = tpu.vector_load %arg6[%swap3A_332, %swap3A_333] {strides = array<i32>} : memref<3x128xi32, #tpu.memory_space<vmem>>, vector<16xi32>,
        tpu.vector_store %arg6[%swap3A_332, %swap3A_333], %select_n3A_315 {strides = array<i32>} : memref<3x128xi32, #tpu.memory_space<vmem>>, vector<16xi32>,
        %jit3A_335 = arith.constant 3 : i32
        %eq3A_336 = arith.constant 0 : i32
        %eq3A_337 = arith.cmpi eq, %jit3A_335, %eq3A_336 : i32
        %jit3A_338 = arith.constant 1 : i32
        %select_n3A_339 = arith.select %eq3A_337, %jit3A_338, %jit3A_335 : i32
        %rem3A_340 = arith.remsi %add3A_289, %select_n3A_339 : i32
        %ne3A_341 = arith.constant 0 : i32
        %ne3A_342 = arith.cmpi ne, %rem3A_340, %ne3A_341 : i32
        %lt3A_343 = arith.constant 0 : i32
        %lt3A_344 = arith.cmpi slt, %rem3A_340, %lt3A_343 : i32
        %lt3A_345 = arith.constant 0 : i32
        %lt3A_346 = arith.cmpi slt, %select_n3A_339, %lt3A_345 : i32
        %ne3A_347 = arith.xori %lt3A_344, %lt3A_346 : i1
        %and3A_348 = arith.andi %ne3A_347, %ne3A_342 : i1
        %add3A_349 = arith.addi %rem3A_340, %select_n3A_339 : i32
        %select_n3A_350 = arith.select %and3A_348, %add3A_349, %rem3A_340 : i32
        %get3A_351 = arith.index_cast %select_n3A_350 : i32 to index
        %get3A_352 = arith.constant 16 : index
        %get3A_353 = tpu.vector_load %arg5[%get3A_351, %get3A_352] {strides = array<i32>} : memref<3x128xi32, #tpu.memory_space<vmem>>, vector<16xi32>,
        %ge3A_354 = arith.constant 499712 : i32
        %ge3A_355 = vector.broadcast %ge3A_354 : i32 to vector<16xi32>
        %ge3A_356 = arith.cmpi sge, %get3A_353, %ge3A_355 : vector<16xi32>
        %sub3A_357 = arith.constant 499712 : i32
        %sub3A_358 = vector.broadcast %sub3A_357 : i32 to vector<16xi32>
        %sub3A_359 = arith.subi %get3A_353, %sub3A_358 : vector<16xi32>
        %select_n3A_360 = arith.select %ge3A_356, %sub3A_359, %get3A_353 : vector<16xi1>, vector<16xi32>
        %jit3A_361 = arith.constant 3 : i32
        %eq3A_362 = arith.constant 0 : i32
        %eq3A_363 = arith.cmpi eq, %jit3A_361, %eq3A_362 : i32
        %jit3A_364 = arith.constant 1 : i32
        %select_n3A_365 = arith.select %eq3A_363, %jit3A_364, %jit3A_361 : i32
        %rem3A_366 = arith.remsi %add3A_289, %select_n3A_365 : i32
        %ne3A_367 = arith.constant 0 : i32
        %ne3A_368 = arith.cmpi ne, %rem3A_366, %ne3A_367 : i32
        %lt3A_369 = arith.constant 0 : i32
        %lt3A_370 = arith.cmpi slt, %rem3A_366, %lt3A_369 : i32
        %lt3A_371 = arith.constant 0 : i32
        %lt3A_372 = arith.cmpi slt, %select_n3A_365, %lt3A_371 : i32
        %ne3A_373 = arith.xori %lt3A_370, %lt3A_372 : i1
        %and3A_374 = arith.andi %ne3A_373, %ne3A_368 : i1
        %add3A_375 = arith.addi %rem3A_366, %select_n3A_365 : i32
        %select_n3A_376 = arith.select %and3A_374, %add3A_375, %rem3A_366 : i32
        %swap3A_377 = arith.index_cast %select_n3A_376 : i32 to index
        %swap3A_378 = arith.constant 16 : index
        %swap3A_379 = tpu.vector_load %arg6[%swap3A_377, %swap3A_378] {strides = array<i32>} : memref<3x128xi32, #tpu.memory_space<vmem>>, vector<16xi32>,
        tpu.vector_store %arg6[%swap3A_377, %swap3A_378], %select_n3A_360 {strides = array<i32>} : memref<3x128xi32, #tpu.memory_space<vmem>>, vector<16xi32>,
        %jit3A_380 = arith.constant 3 : i32
        %eq3A_381 = arith.constant 0 : i32
        %eq3A_382 = arith.cmpi eq, %jit3A_380, %eq3A_381 : i32
        %jit3A_383 = arith.constant 1 : i32
        %select_n3A_384 = arith.select %eq3A_382, %jit3A_383, %jit3A_380 : i32
        %rem3A_385 = arith.remsi %add3A_289, %select_n3A_384 : i32
        %ne3A_386 = arith.constant 0 : i32
        %ne3A_387 = arith.cmpi ne, %rem3A_385, %ne3A_386 : i32
        %lt3A_388 = arith.constant 0 : i32
        %lt3A_389 = arith.cmpi slt, %rem3A_385, %lt3A_388 : i32
        %lt3A_390 = arith.constant 0 : i32
        %lt3A_391 = arith.cmpi slt, %select_n3A_384, %lt3A_390 : i32
        %ne3A_392 = arith.xori %lt3A_389, %lt3A_391 : i1
        %and3A_393 = arith.andi %ne3A_392, %ne3A_387 : i1
        %add3A_394 = arith.addi %rem3A_385, %select_n3A_384 : i32
        %select_n3A_395 = arith.select %and3A_393, %add3A_394, %rem3A_385 : i32
        %get3A_396 = arith.index_cast %select_n3A_395 : i32 to index
        %get3A_397 = arith.constant 32 : index
        %get3A_398 = tpu.vector_load %arg5[%get3A_396, %get3A_397] {strides = array<i32>} : memref<3x128xi32, #tpu.memory_space<vmem>>, vector<16xi32>,
        %ge3A_399 = arith.constant 499712 : i32
        %ge3A_400 = vector.broadcast %ge3A_399 : i32 to vector<16xi32>
        %ge3A_401 = arith.cmpi sge, %get3A_398, %ge3A_400 : vector<16xi32>
        %sub3A_402 = arith.constant 499712 : i32
        %sub3A_403 = vector.broadcast %sub3A_402 : i32 to vector<16xi32>
        %sub3A_404 = arith.subi %get3A_398, %sub3A_403 : vector<16xi32>
        %select_n3A_405 = arith.select %ge3A_401, %sub3A_404, %get3A_398 : vector<16xi1>, vector<16xi32>
        %jit3A_406 = arith.constant 3 : i32
        %eq3A_407 = arith.constant 0 : i32
        %eq3A_408 = arith.cmpi eq, %jit3A_406, %eq3A_407 : i32
        %jit3A_409 = arith.constant 1 : i32
        %select_n3A_410 = arith.select %eq3A_408, %jit3A_409, %jit3A_406 : i32
        %rem3A_411 = arith.remsi %add3A_289, %select_n3A_410 : i32
        %ne3A_412 = arith.constant 0 : i32
        %ne3A_413 = arith.cmpi ne, %rem3A_411, %ne3A_412 : i32
        %lt3A_414 = arith.constant 0 : i32
        %lt3A_415 = arith.cmpi slt, %rem3A_411, %lt3A_414 : i32
        %lt3A_416 = arith.constant 0 : i32
        %lt3A_417 = arith.cmpi slt, %select_n3A_410, %lt3A_416 : i32
        %ne3A_418 = arith.xori %lt3A_415, %lt3A_417 : i1
        %and3A_419 = arith.andi %ne3A_418, %ne3A_413 : i1
        %add3A_420 = arith.addi %rem3A_411, %select_n3A_410 : i32
        %select_n3A_421 = arith.select %and3A_419, %add3A_420, %rem3A_411 : i32
        %swap3A_422 = arith.index_cast %select_n3A_421 : i32 to index
        %swap3A_423 = arith.constant 32 : index
        %swap3A_424 = tpu.vector_load %arg6[%swap3A_422, %swap3A_423] {strides = array<i32>} : memref<3x128xi32, #tpu.memory_space<vmem>>, vector<16xi32>,
        tpu.vector_store %arg6[%swap3A_422, %swap3A_423], %select_n3A_405 {strides = array<i32>} : memref<3x128xi32, #tpu.memory_space<vmem>>, vector<16xi32>,
        %jit3A_425 = arith.constant 3 : i32
        %eq3A_426 = arith.constant 0 : i32
        %eq3A_427 = arith.cmpi eq, %jit3A_425, %eq3A_426 : i32
        %jit3A_428 = arith.constant 1 : i32
        %select_n3A_429 = arith.select %eq3A_427, %jit3A_428, %jit3A_425 : i32
        %rem3A_430 = arith.remsi %add3A_289, %select_n3A_429 : i32
        %ne3A_431 = arith.constant 0 : i32
        %ne3A_432 = arith.cmpi ne, %rem3A_430, %ne3A_431 : i32
        %lt3A_433 = arith.constant 0 : i32
        %lt3A_434 = arith.cmpi slt, %rem3A_430, %lt3A_433 : i32
        %lt3A_435 = arith.constant 0 : i32
        %lt3A_436 = arith.cmpi slt, %select_n3A_429, %lt3A_435 : i32
        %ne3A_437 = arith.xori %lt3A_434, %lt3A_436 : i1
        %and3A_438 = arith.andi %ne3A_437, %ne3A_432 : i1
        %add3A_439 = arith.addi %rem3A_430, %select_n3A_429 : i32
        %select_n3A_440 = arith.select %and3A_438, %add3A_439, %rem3A_430 : i32
        %get3A_441 = arith.index_cast %select_n3A_440 : i32 to index
        %get3A_442 = arith.constant 48 : index
        %get3A_443 = tpu.vector_load %arg5[%get3A_441, %get3A_442] {strides = array<i32>} : memref<3x128xi32, #tpu.memory_space<vmem>>, vector<16xi32>,
        %ge3A_444 = arith.constant 499712 : i32
        %ge3A_445 = vector.broadcast %ge3A_444 : i32 to vector<16xi32>
        %ge3A_446 = arith.cmpi sge, %get3A_443, %ge3A_445 : vector<16xi32>
        %sub3A_447 = arith.constant 499712 : i32
        %sub3A_448 = vector.broadcast %sub3A_447 : i32 to vector<16xi32>
        %sub3A_449 = arith.subi %get3A_443, %sub3A_448 : vector<16xi32>
        %select_n3A_450 = arith.select %ge3A_446, %sub3A_449, %get3A_443 : vector<16xi1>, vector<16xi32>
        %jit3A_451 = arith.constant 3 : i32
        %eq3A_452 = arith.constant 0 : i32
        %eq3A_453 = arith.cmpi eq, %jit3A_451, %eq3A_452 : i32
        %jit3A_454 = arith.constant 1 : i32
        %select_n3A_455 = arith.select %eq3A_453, %jit3A_454, %jit3A_451 : i32
        %rem3A_456 = arith.remsi %add3A_289, %select_n3A_455 : i32
        %ne3A_457 = arith.constant 0 : i32
        %ne3A_458 = arith.cmpi ne, %rem3A_456, %ne3A_457 : i32
        %lt3A_459 = arith.constant 0 : i32
        %lt3A_460 = arith.cmpi slt, %rem3A_456, %lt3A_459 : i32
        %lt3A_461 = arith.constant 0 : i32
        %lt3A_462 = arith.cmpi slt, %select_n3A_455, %lt3A_461 : i32
        %ne3A_463 = arith.xori %lt3A_460, %lt3A_462 : i1
        %and3A_464 = arith.andi %ne3A_463, %ne3A_458 : i1
        %add3A_465 = arith.addi %rem3A_456, %select_n3A_455 : i32
        %select_n3A_466 = arith.select %and3A_464, %add3A_465, %rem3A_456 : i32
        %swap3A_467 = arith.index_cast %select_n3A_466 : i32 to index
        %swap3A_468 = arith.constant 48 : index
        %swap3A_469 = tpu.vector_load %arg6[%swap3A_467, %swap3A_468] {strides = array<i32>} : memref<3x128xi32, #tpu.memory_space<vmem>>, vector<16xi32>,
        tpu.vector_store %arg6[%swap3A_467, %swap3A_468], %select_n3A_450 {strides = array<i32>} : memref<3x128xi32, #tpu.memory_space<vmem>>, vector<16xi32>,
        %jit3A_470 = arith.constant 3 : i32
        %eq3A_471 = arith.constant 0 : i32
        %eq3A_472 = arith.cmpi eq, %jit3A_470, %eq3A_471 : i32
        %jit3A_473 = arith.constant 1 : i32
        %select_n3A_474 = arith.select %eq3A_472, %jit3A_473, %jit3A_470 : i32
        %rem3A_475 = arith.remsi %add3A_289, %select_n3A_474 : i32
        %ne3A_476 = arith.constant 0 : i32
        %ne3A_477 = arith.cmpi ne, %rem3A_475, %ne3A_476 : i32
        %lt3A_478 = arith.constant 0 : i32
        %lt3A_479 = arith.cmpi slt, %rem3A_475, %lt3A_478 : i32
        %lt3A_480 = arith.constant 0 : i32
        %lt3A_481 = arith.cmpi slt, %select_n3A_474, %lt3A_480 : i32
        %ne3A_482 = arith.xori %lt3A_479, %lt3A_481 : i1
        %and3A_483 = arith.andi %ne3A_482, %ne3A_477 : i1
        %add3A_484 = arith.addi %rem3A_475, %select_n3A_474 : i32
        %select_n3A_485 = arith.select %and3A_483, %add3A_484, %rem3A_475 : i32
        %get3A_486 = arith.index_cast %select_n3A_485 : i32 to index
        %get3A_487 = arith.constant 64 : index
        %get3A_488 = tpu.vector_load %arg5[%get3A_486, %get3A_487] {strides = array<i32>} : memref<3x128xi32, #tpu.memory_space<vmem>>, vector<16xi32>,
        %ge3A_489 = arith.constant 499712 : i32
        %ge3A_490 = vector.broadcast %ge3A_489 : i32 to vector<16xi32>
        %ge3A_491 = arith.cmpi sge, %get3A_488, %ge3A_490 : vector<16xi32>
        %sub3A_492 = arith.constant 499712 : i32
        %sub3A_493 = vector.broadcast %sub3A_492 : i32 to vector<16xi32>
        %sub3A_494 = arith.subi %get3A_488, %sub3A_493 : vector<16xi32>
        %select_n3A_495 = arith.select %ge3A_491, %sub3A_494, %get3A_488 : vector<16xi1>, vector<16xi32>
        %jit3A_496 = arith.constant 3 : i32
        %eq3A_497 = arith.constant 0 : i32
        %eq3A_498 = arith.cmpi eq, %jit3A_496, %eq3A_497 : i32
        %jit3A_499 = arith.constant 1 : i32
        %select_n3A_500 = arith.select %eq3A_498, %jit3A_499, %jit3A_496 : i32
        %rem3A_501 = arith.remsi %add3A_289, %select_n3A_500 : i32
        %ne3A_502 = arith.constant 0 : i32
        %ne3A_503 = arith.cmpi ne, %rem3A_501, %ne3A_502 : i32
        %lt3A_504 = arith.constant 0 : i32
        %lt3A_505 = arith.cmpi slt, %rem3A_501, %lt3A_504 : i32
        %lt3A_506 = arith.constant 0 : i32
        %lt3A_507 = arith.cmpi slt, %select_n3A_500, %lt3A_506 : i32
        %ne3A_508 = arith.xori %lt3A_505, %lt3A_507 : i1
        %and3A_509 = arith.andi %ne3A_508, %ne3A_503 : i1
        %add3A_510 = arith.addi %rem3A_501, %select_n3A_500 : i32
        %select_n3A_511 = arith.select %and3A_509, %add3A_510, %rem3A_501 : i32
        %swap3A_512 = arith.index_cast %select_n3A_511 : i32 to index
        %swap3A_513 = arith.constant 64 : index
        %swap3A_514 = tpu.vector_load %arg6[%swap3A_512, %swap3A_513] {strides = array<i32>} : memref<3x128xi32, #tpu.memory_space<vmem>>, vector<16xi32>,
        tpu.vector_store %arg6[%swap3A_512, %swap3A_513], %select_n3A_495 {strides = array<i32>} : memref<3x128xi32, #tpu.memory_space<vmem>>, vector<16xi32>,
        %jit3A_515 = arith.constant 3 : i32
        %eq3A_516 = arith.constant 0 : i32
        %eq3A_517 = arith.cmpi eq, %jit3A_515, %eq3A_516 : i32
        %jit3A_518 = arith.constant 1 : i32
        %select_n3A_519 = arith.select %eq3A_517, %jit3A_518, %jit3A_515 : i32
        %rem3A_520 = arith.remsi %add3A_289, %select_n3A_519 : i32
        %ne3A_521 = arith.constant 0 : i32
        %ne3A_522 = arith.cmpi ne, %rem3A_520, %ne3A_521 : i32
        %lt3A_523 = arith.constant 0 : i32
        %lt3A_524 = arith.cmpi slt, %rem3A_520, %lt3A_523 : i32
        %lt3A_525 = arith.constant 0 : i32
        %lt3A_526 = arith.cmpi slt, %select_n3A_519, %lt3A_525 : i32
        %ne3A_527 = arith.xori %lt3A_524, %lt3A_526 : i1
        %and3A_528 = arith.andi %ne3A_527, %ne3A_522 : i1
        %add3A_529 = arith.addi %rem3A_520, %select_n3A_519 : i32
        %select_n3A_530 = arith.select %and3A_528, %add3A_529, %rem3A_520 : i32
        %get3A_531 = arith.index_cast %select_n3A_530 : i32 to index
        %get3A_532 = arith.constant 80 : index
        %get3A_533 = tpu.vector_load %arg5[%get3A_531, %get3A_532] {strides = array<i32>} : memref<3x128xi32, #tpu.memory_space<vmem>>, vector<16xi32>,
        %ge3A_534 = arith.constant 499712 : i32
        %ge3A_535 = vector.broadcast %ge3A_534 : i32 to vector<16xi32>
        %ge3A_536 = arith.cmpi sge, %get3A_533, %ge3A_535 : vector<16xi32>
        %sub3A_537 = arith.constant 499712 : i32
        %sub3A_538 = vector.broadcast %sub3A_537 : i32 to vector<16xi32>
        %sub3A_539 = arith.subi %get3A_533, %sub3A_538 : vector<16xi32>
        %select_n3A_540 = arith.select %ge3A_536, %sub3A_539, %get3A_533 : vector<16xi1>, vector<16xi32>
        %jit3A_541 = arith.constant 3 : i32
        %eq3A_542 = arith.constant 0 : i32
        %eq3A_543 = arith.cmpi eq, %jit3A_541, %eq3A_542 : i32
        %jit3A_544 = arith.constant 1 : i32
        %select_n3A_545 = arith.select %eq3A_543, %jit3A_544, %jit3A_541 : i32
        %rem3A_546 = arith.remsi %add3A_289, %select_n3A_545 : i32
        %ne3A_547 = arith.constant 0 : i32
        %ne3A_548 = arith.cmpi ne, %rem3A_546, %ne3A_547 : i32
        %lt3A_549 = arith.constant 0 : i32
        %lt3A_550 = arith.cmpi slt, %rem3A_546, %lt3A_549 : i32
        %lt3A_551 = arith.constant 0 : i32
        %lt3A_552 = arith.cmpi slt, %select_n3A_545, %lt3A_551 : i32
        %ne3A_553 = arith.xori %lt3A_550, %lt3A_552 : i1
        %and3A_554 = arith.andi %ne3A_553, %ne3A_548 : i1
        %add3A_555 = arith.addi %rem3A_546, %select_n3A_545 : i32
        %select_n3A_556 = arith.select %and3A_554, %add3A_555, %rem3A_546 : i32
        %swap3A_557 = arith.index_cast %select_n3A_556 : i32 to index
        %swap3A_558 = arith.constant 80 : index
        %swap3A_559 = tpu.vector_load %arg6[%swap3A_557, %swap3A_558] {strides = array<i32>} : memref<3x128xi32, #tpu.memory_space<vmem>>, vector<16xi32>,
        tpu.vector_store %arg6[%swap3A_557, %swap3A_558], %select_n3A_540 {strides = array<i32>} : memref<3x128xi32, #tpu.memory_space<vmem>>, vector<16xi32>,
        %jit3A_560 = arith.constant 3 : i32
        %eq3A_561 = arith.constant 0 : i32
        %eq3A_562 = arith.cmpi eq, %jit3A_560, %eq3A_561 : i32
        %jit3A_563 = arith.constant 1 : i32
        %select_n3A_564 = arith.select %eq3A_562, %jit3A_563, %jit3A_560 : i32
        %rem3A_565 = arith.remsi %add3A_289, %select_n3A_564 : i32
        %ne3A_566 = arith.constant 0 : i32
        %ne3A_567 = arith.cmpi ne, %rem3A_565, %ne3A_566 : i32
        %lt3A_568 = arith.constant 0 : i32
        %lt3A_569 = arith.cmpi slt, %rem3A_565, %lt3A_568 : i32
        %lt3A_570 = arith.constant 0 : i32
        %lt3A_571 = arith.cmpi slt, %select_n3A_564, %lt3A_570 : i32
        %ne3A_572 = arith.xori %lt3A_569, %lt3A_571 : i1
        %and3A_573 = arith.andi %ne3A_572, %ne3A_567 : i1
        %add3A_574 = arith.addi %rem3A_565, %select_n3A_564 : i32
        %select_n3A_575 = arith.select %and3A_573, %add3A_574, %rem3A_565 : i32
        %get3A_576 = arith.index_cast %select_n3A_575 : i32 to index
        %get3A_577 = arith.constant 96 : index
        %get3A_578 = tpu.vector_load %arg5[%get3A_576, %get3A_577] {strides = array<i32>} : memref<3x128xi32, #tpu.memory_space<vmem>>, vector<16xi32>,
        %ge3A_579 = arith.constant 499712 : i32
        %ge3A_580 = vector.broadcast %ge3A_579 : i32 to vector<16xi32>
        %ge3A_581 = arith.cmpi sge, %get3A_578, %ge3A_580 : vector<16xi32>
        %sub3A_582 = arith.constant 499712 : i32
        %sub3A_583 = vector.broadcast %sub3A_582 : i32 to vector<16xi32>
        %sub3A_584 = arith.subi %get3A_578, %sub3A_583 : vector<16xi32>
        %select_n3A_585 = arith.select %ge3A_581, %sub3A_584, %get3A_578 : vector<16xi1>, vector<16xi32>
        %jit3A_586 = arith.constant 3 : i32
        %eq3A_587 = arith.constant 0 : i32
        %eq3A_588 = arith.cmpi eq, %jit3A_586, %eq3A_587 : i32
        %jit3A_589 = arith.constant 1 : i32
        %select_n3A_590 = arith.select %eq3A_588, %jit3A_589, %jit3A_586 : i32
        %rem3A_591 = arith.remsi %add3A_289, %select_n3A_590 : i32
        %ne3A_592 = arith.constant 0 : i32
        %ne3A_593 = arith.cmpi ne, %rem3A_591, %ne3A_592 : i32
        %lt3A_594 = arith.constant 0 : i32
        %lt3A_595 = arith.cmpi slt, %rem3A_591, %lt3A_594 : i32
        %lt3A_596 = arith.constant 0 : i32
        %lt3A_597 = arith.cmpi slt, %select_n3A_590, %lt3A_596 : i32
        %ne3A_598 = arith.xori %lt3A_595, %lt3A_597 : i1
        %and3A_599 = arith.andi %ne3A_598, %ne3A_593 : i1
        %add3A_600 = arith.addi %rem3A_591, %select_n3A_590 : i32
        %select_n3A_601 = arith.select %and3A_599, %add3A_600, %rem3A_591 : i32
        %swap3A_602 = arith.index_cast %select_n3A_601 : i32 to index
        %swap3A_603 = arith.constant 96 : index
        %swap3A_604 = tpu.vector_load %arg6[%swap3A_602, %swap3A_603] {strides = array<i32>} : memref<3x128xi32, #tpu.memory_space<vmem>>, vector<16xi32>,
        tpu.vector_store %arg6[%swap3A_602, %swap3A_603], %select_n3A_585 {strides = array<i32>} : memref<3x128xi32, #tpu.memory_space<vmem>>, vector<16xi32>,
        %jit3A_605 = arith.constant 3 : i32
        %eq3A_606 = arith.constant 0 : i32
        %eq3A_607 = arith.cmpi eq, %jit3A_605, %eq3A_606 : i32
        %jit3A_608 = arith.constant 1 : i32
        %select_n3A_609 = arith.select %eq3A_607, %jit3A_608, %jit3A_605 : i32
        %rem3A_610 = arith.remsi %add3A_289, %select_n3A_609 : i32
        %ne3A_611 = arith.constant 0 : i32
        %ne3A_612 = arith.cmpi ne, %rem3A_610, %ne3A_611 : i32
        %lt3A_613 = arith.constant 0 : i32
        %lt3A_614 = arith.cmpi slt, %rem3A_610, %lt3A_613 : i32
        %lt3A_615 = arith.constant 0 : i32
        %lt3A_616 = arith.cmpi slt, %select_n3A_609, %lt3A_615 : i32
        %ne3A_617 = arith.xori %lt3A_614, %lt3A_616 : i1
        %and3A_618 = arith.andi %ne3A_617, %ne3A_612 : i1
        %add3A_619 = arith.addi %rem3A_610, %select_n3A_609 : i32
        %select_n3A_620 = arith.select %and3A_618, %add3A_619, %rem3A_610 : i32
        %get3A_621 = arith.index_cast %select_n3A_620 : i32 to index
        %get3A_622 = arith.constant 112 : index
        %get3A_623 = tpu.vector_load %arg5[%get3A_621, %get3A_622] {strides = array<i32>} : memref<3x128xi32, #tpu.memory_space<vmem>>, vector<16xi32>,
        %ge3A_624 = arith.constant 499712 : i32
        %ge3A_625 = vector.broadcast %ge3A_624 : i32 to vector<16xi32>
        %ge3A_626 = arith.cmpi sge, %get3A_623, %ge3A_625 : vector<16xi32>
        %sub3A_627 = arith.constant 499712 : i32
        %sub3A_628 = vector.broadcast %sub3A_627 : i32 to vector<16xi32>
        %sub3A_629 = arith.subi %get3A_623, %sub3A_628 : vector<16xi32>
        %select_n3A_630 = arith.select %ge3A_626, %sub3A_629, %get3A_623 : vector<16xi1>, vector<16xi32>
        %jit3A_631 = arith.constant 3 : i32
        %eq3A_632 = arith.constant 0 : i32
        %eq3A_633 = arith.cmpi eq, %jit3A_631, %eq3A_632 : i32
        %jit3A_634 = arith.constant 1 : i32
        %select_n3A_635 = arith.select %eq3A_633, %jit3A_634, %jit3A_631 : i32
        %rem3A_636 = arith.remsi %add3A_289, %select_n3A_635 : i32
        %ne3A_637 = arith.constant 0 : i32
        %ne3A_638 = arith.cmpi ne, %rem3A_636, %ne3A_637 : i32
        %lt3A_639 = arith.constant 0 : i32
        %lt3A_640 = arith.cmpi slt, %rem3A_636, %lt3A_639 : i32
        %lt3A_641 = arith.constant 0 : i32
        %lt3A_642 = arith.cmpi slt, %select_n3A_635, %lt3A_641 : i32
        %ne3A_643 = arith.xori %lt3A_640, %lt3A_642 : i1
        %and3A_644 = arith.andi %ne3A_643, %ne3A_638 : i1
        %add3A_645 = arith.addi %rem3A_636, %select_n3A_635 : i32
        %select_n3A_646 = arith.select %and3A_644, %add3A_645, %rem3A_636 : i32
        %swap3A_647 = arith.index_cast %select_n3A_646 : i32 to index
        %swap3A_648 = arith.constant 112 : index
        %swap3A_649 = tpu.vector_load %arg6[%swap3A_647, %swap3A_648] {strides = array<i32>} : memref<3x128xi32, #tpu.memory_space<vmem>>, vector<16xi32>,
        tpu.vector_store %arg6[%swap3A_647, %swap3A_648], %select_n3A_630 {strides = array<i32>} : memref<3x128xi32, #tpu.memory_space<vmem>>, vector<16xi32>,
        %ge3A_650 = arith.constant 1 : i32
        %ge3A_651 = arith.cmpi sge, %add3A_227, %ge3A_650 : i32
        %convert_element_type3A_652 = arith.extui %ge3A_651 : i1 to i32
        %cond3A_653 = arith.constant 0 : i32
        %cond3A_654 = arith.cmpi ne, %convert_element_type3A_652, %cond3A_653 : i32
        scf.if %cond3A_654 {
          %sub3A_684 = arith.constant 1 : i32
          %sub3A_685 = arith.subi %add3A_227, %sub3A_684 : i32
          %dma_wait3A_686 = arith.constant 0 : i32
          %dma_wait3A_687 = arith.constant 0 : i32
          %dma_wait3A_688 = arith.constant 0 : i32
          %dma_wait3A_689 = tpu.memref_slice %arg7[%dma_wait3A_686, %dma_wait3A_687, %dma_wait3A_688] : memref<2x128x128xf32, #tpu.memory_space<vmem>> -> memref<1x128x128xf32, #tpu.memory_space<vmem>>
          %dma_wait3A_690 = tpu.memref_squeeze %dma_wait3A_689 : memref<1x128x128xf32, #tpu.memory_space<vmem>> -> memref<128x128xf32, #tpu.memory_space<vmem>>
          %dma_wait3A_691 = arith.constant 0 : i32
          %dma_wait3A_692 = tpu.memref_slice %arg4[%sub3A_685, %mul3A_2, %dma_wait3A_691] : memref<200x4096x128xf32, #tpu.memory_space<hbm>> -> memref<1x128x128xf32, #tpu.memory_space<hbm>>
          %dma_wait3A_693 = tpu.memref_squeeze %dma_wait3A_692 : memref<1x128x128xf32, #tpu.memory_space<hbm>> -> memref<128x128xf32, #tpu.memory_space<hbm>>
          %dma_wait3A_694 = arith.constant 0 : i32
          %dma_wait3A_695 = tpu.memref_slice %arg4[%sub3A_685, %mul3A_2, %dma_wait3A_694] : memref<200x4096x128xf32, #tpu.memory_space<hbm>> -> memref<1x128x128xf32, #tpu.memory_space<hbm>>
          %dma_wait3A_696 = tpu.memref_squeeze %dma_wait3A_695 : memref<1x128x128xf32, #tpu.memory_space<hbm>> -> memref<128x128xf32, #tpu.memory_space<hbm>>
          %dma_wait3A_697 = arith.constant 0 : i32
          %dma_wait3A_698 = arith.constant 0 : i32
          %dma_wait3A_699 = tpu.memref_slice %arg7[%dma_wait3A_686, %dma_wait3A_697, %dma_wait3A_698] : memref<2x128x128xf32, #tpu.memory_space<vmem>> -> memref<1x128x128xf32, #tpu.memory_space<vmem>>
          %dma_wait3A_700 = tpu.memref_squeeze %dma_wait3A_699 : memref<1x128x128xf32, #tpu.memory_space<vmem>> -> memref<128x128xf32, #tpu.memory_space<vmem>>
          tpu.wait_dma2 semaphore(%arg10 : memref<!tpu.dma_semaphore, #tpu.memory_space<semaphore_mem>>) src(%dma_wait3A_700 : memref<128x128xf32, #tpu.memory_space<vmem>>) dst(%dma_wait3A_696 : memref<128x128xf32, #tpu.memory_space<hbm>>)
        } else {
        }
        %add3A_655 = arith.constant 1 : i32
        %add3A_656 = arith.addi %add3A_227, %add3A_655 : i32
        %jit3A_657 = arith.constant 3 : i32
        %eq3A_658 = arith.constant 0 : i32
        %eq3A_659 = arith.cmpi eq, %jit3A_657, %eq3A_658 : i32
        %jit3A_660 = arith.constant 1 : i32
        %select_n3A_661 = arith.select %eq3A_659, %jit3A_660, %jit3A_657 : i32
        %rem3A_662 = arith.remsi %add3A_656, %select_n3A_661 : i32
        %ne3A_663 = arith.constant 0 : i32
        %ne3A_664 = arith.cmpi ne, %rem3A_662, %ne3A_663 : i32
        %lt3A_665 = arith.constant 0 : i32
        %lt3A_666 = arith.cmpi slt, %rem3A_662, %lt3A_665 : i32
        %lt3A_667 = arith.constant 0 : i32
        %lt3A_668 = arith.cmpi slt, %select_n3A_661, %lt3A_667 : i32
        %ne3A_669 = arith.xori %lt3A_666, %lt3A_668 : i1
        %and3A_670 = arith.andi %ne3A_669, %ne3A_664 : i1
        %add3A_671 = arith.addi %rem3A_662, %select_n3A_661 : i32
        %select_n3A_672 = arith.select %and3A_670, %add3A_671, %rem3A_662 : i32
        %dma_start3A_673 = arith.constant 0 : i32
        %dma_start3A_674 = arith.constant 0 : i32
        %dma_start3A_675 = arith.constant 0 : i32
        %dma_start3A_676 = tpu.memref_slice %arg7[%dma_start3A_673, %dma_start3A_674, %dma_start3A_675] : memref<2x128x128xf32, #tpu.memory_space<vmem>> -> memref<1x128x128xf32, #tpu.memory_space<vmem>>
        %dma_start3A_677 = tpu.memref_squeeze %dma_start3A_676 : memref<1x128x128xf32, #tpu.memory_space<vmem>> -> memref<128x128xf32, #tpu.memory_space<vmem>>
        %dma_start3A_678 = arith.constant 0 : i32
        %dma_start3A_679 = tpu.memref_slice %arg6[%select_n3A_672, %dma_start3A_678] : memref<3x128xi32, #tpu.memory_space<vmem>> -> memref<1x128xi32, #tpu.memory_space<vmem>>
        %dma_start3A_680 = tpu.memref_squeeze %dma_start3A_679 : memref<1x128xi32, #tpu.memory_space<vmem>> -> memref<128xi32, #tpu.memory_space<vmem>>
        %dma_start3A_681 = arith.constant 0 : i32
        %dma_start3A_682 = arith.constant 0 : i32
        %dma_start3A_683 = tpu.memref_slice %arg3[%dma_start3A_681, %dma_start3A_682] : memref<500288x128xf32, #tpu.memory_space<hbm>> -> memref<500288x128xf32, #tpu.memory_space<hbm>>
        tpu.enqueue_indirect_dma source(%dma_start3A_683 : memref<500288x128xf32, #tpu.memory_space<hbm>>) target(%dma_start3A_677 : memref<128x128xf32, #tpu.memory_space<vmem>>) offsets(%dma_start3A_680 : memref<128xi32, #tpu.memory_space<vmem>>) semaphore(%arg9 : memref<!tpu.dma_semaphore, #tpu.memory_space<semaphore_mem>>)
      } else {
      }
      %lt3A_233 = arith.constant 198 : i32
      %lt3A_234 = arith.cmpi slt, %add3A_227, %lt3A_233 : i32
      %convert_element_type3A_235 = arith.extui %lt3A_234 : i1 to i32
      %cond3A_236 = arith.constant 0 : i32
      %cond3A_237 = arith.cmpi ne, %convert_element_type3A_235, %cond3A_236 : i32
      scf.if %cond3A_237 {
        %add3A_265 = arith.constant 2 : i32
        %add3A_266 = arith.addi %add3A_227, %add3A_265 : i32
        %jit3A = arith.constant 3 : i32
        %eq3A = arith.constant 0 : i32
        %eq3A_267 = arith.cmpi eq, %jit3A, %eq3A : i32
        %jit3A_268 = arith.constant 1 : i32
        %select_n3A_269 = arith.select %eq3A_267, %jit3A_268, %jit3A : i32
        %rem3A = arith.remsi %add3A_266, %select_n3A_269 : i32
        %ne3A = arith.constant 0 : i32
        %ne3A_270 = arith.cmpi ne, %rem3A, %ne3A : i32
        %lt3A_271 = arith.constant 0 : i32
        %lt3A_272 = arith.cmpi slt, %rem3A, %lt3A_271 : i32
        %lt3A_273 = arith.constant 0 : i32
        %lt3A_274 = arith.cmpi slt, %select_n3A_269, %lt3A_273 : i32
        %ne3A_275 = arith.xori %lt3A_272, %lt3A_274 : i1
        %and3A = arith.andi %ne3A_275, %ne3A_270 : i1
        %add3A_276 = arith.addi %rem3A, %select_n3A_269 : i32
        %select_n3A_277 = arith.select %and3A, %add3A_276, %rem3A : i32
        %dma_start3A_278 = arith.constant 0 : i32
        %dma_start3A_279 = tpu.memref_slice %arg5[%select_n3A_277, %dma_start3A_278] : memref<3x128xi32, #tpu.memory_space<vmem>> -> memref<1x128xi32, #tpu.memory_space<vmem>>
        %dma_start3A_280 = tpu.memref_squeeze %dma_start3A_279 : memref<1x128xi32, #tpu.memory_space<vmem>> -> memref<128xi32, #tpu.memory_space<vmem>>
        %dma_start3A_281 = tpu.memref_slice %arg2[%add3A_266, %mul3A_2] : memref<200x4096xi32, #tpu.memory_space<hbm>> -> memref<1x128xi32, #tpu.memory_space<hbm>>
        %dma_start3A_282 = tpu.memref_squeeze %dma_start3A_281 : memref<1x128xi32, #tpu.memory_space<hbm>> -> memref<128xi32, #tpu.memory_space<hbm>>
        %dma_start3A_283 = arith.constant 0 : i32
        %dma_start3A_284 = tpu.memref_slice %arg5[%select_n3A_277, %dma_start3A_283] : memref<3x128xi32, #tpu.memory_space<vmem>> -> memref<1x128xi32, #tpu.memory_space<vmem>>
        %dma_start3A_285 = tpu.memref_squeeze %dma_start3A_284 : memref<1x128xi32, #tpu.memory_space<vmem>> -> memref<128xi32, #tpu.memory_space<vmem>>
        %dma_start3A_286 = tpu.memref_slice %arg2[%add3A_266, %mul3A_2] : memref<200x4096xi32, #tpu.memory_space<hbm>> -> memref<1x128xi32, #tpu.memory_space<hbm>>
        %dma_start3A_287 = tpu.memref_squeeze %dma_start3A_286 : memref<1x128xi32, #tpu.memory_space<hbm>> -> memref<128xi32, #tpu.memory_space<hbm>>
        tpu.enqueue_dma source(%dma_start3A_287 : memref<128xi32, #tpu.memory_space<hbm>>) target(%dma_start3A_285 : memref<128xi32, #tpu.memory_space<vmem>>) target_semaphore(%arg8 : memref<!tpu.dma_semaphore, #tpu.memory_space<semaphore_mem>>)
      } else {
      }
      %dma_wait3A_238 = arith.constant 0 : i32
      %dma_wait3A_239 = arith.constant 1 : i32
      %dma_wait3A_240 = arith.constant 0 : i32
      %dma_wait3A_241 = arith.constant 0 : i32
      %dma_wait3A_242 = tpu.memref_slice %arg7[%dma_wait3A_239, %dma_wait3A_240, %dma_wait3A_241] : memref<2x128x128xf32, #tpu.memory_space<vmem>> -> memref<1x128x128xf32, #tpu.memory_space<vmem>>
      %dma_wait3A_243 = tpu.memref_squeeze %dma_wait3A_242 : memref<1x128x128xf32, #tpu.memory_space<vmem>> -> memref<128x128xf32, #tpu.memory_space<vmem>>
      %dma_wait3A_244 = arith.constant 0 : i32
      %dma_wait3A_245 = tpu.memref_slice %arg6[%dma_wait3A_238, %dma_wait3A_244] : memref<3x128xi32, #tpu.memory_space<vmem>> -> memref<1x128xi32, #tpu.memory_space<vmem>>
      %dma_wait3A_246 = tpu.memref_squeeze %dma_wait3A_245 : memref<1x128xi32, #tpu.memory_space<vmem>> -> memref<128xi32, #tpu.memory_space<vmem>>
      %dma_wait3A_247 = arith.constant 0 : i32
      %dma_wait3A_248 = arith.constant 0 : i32
      %dma_wait3A_249 = tpu.memref_slice %arg3[%dma_wait3A_247, %dma_wait3A_248] : memref<500288x128xf32, #tpu.memory_space<hbm>> -> memref<500288x128xf32, #tpu.memory_space<hbm>>
      tpu.wait_indirect_dma semaphore(%arg9 : memref<!tpu.dma_semaphore, #tpu.memory_space<semaphore_mem>>) src(%dma_wait3A_249 : memref<500288x128xf32, #tpu.memory_space<hbm>>) dst(%dma_wait3A_243 : memref<128x128xf32, #tpu.memory_space<vmem>>)
      %dma_start3A_250 = arith.constant 1 : i32
      %dma_start3A_251 = arith.constant 0 : i32
      %dma_start3A_252 = arith.constant 0 : i32
      %dma_start3A_253 = tpu.memref_slice %arg7[%dma_start3A_250, %dma_start3A_251, %dma_start3A_252] : memref<2x128x128xf32, #tpu.memory_space<vmem>> -> memref<1x128x128xf32, #tpu.memory_space<vmem>>
      %dma_start3A_254 = tpu.memref_squeeze %dma_start3A_253 : memref<1x128x128xf32, #tpu.memory_space<vmem>> -> memref<128x128xf32, #tpu.memory_space<vmem>>
      %dma_start3A_255 = arith.constant 0 : i32
      %dma_start3A_256 = tpu.memref_slice %arg4[%add3A_227, %mul3A_2, %dma_start3A_255] : memref<200x4096x128xf32, #tpu.memory_space<hbm>> -> memref<1x128x128xf32, #tpu.memory_space<hbm>>
      %dma_start3A_257 = tpu.memref_squeeze %dma_start3A_256 : memref<1x128x128xf32, #tpu.memory_space<hbm>> -> memref<128x128xf32, #tpu.memory_space<hbm>>
      %dma_start3A_258 = arith.constant 0 : i32
      %dma_start3A_259 = tpu.memref_slice %arg4[%add3A_227, %mul3A_2, %dma_start3A_258] : memref<200x4096x128xf32, #tpu.memory_space<hbm>> -> memref<1x128x128xf32, #tpu.memory_space<hbm>>
      %dma_start3A_260 = tpu.memref_squeeze %dma_start3A_259 : memref<1x128x128xf32, #tpu.memory_space<hbm>> -> memref<128x128xf32, #tpu.memory_space<hbm>>
      %dma_start3A_261 = arith.constant 0 : i32
      %dma_start3A_262 = arith.constant 0 : i32
      %dma_start3A_263 = tpu.memref_slice %arg7[%dma_start3A_250, %dma_start3A_261, %dma_start3A_262] : memref<2x128x128xf32, #tpu.memory_space<vmem>> -> memref<1x128x128xf32, #tpu.memory_space<vmem>>
      %dma_start3A_264 = tpu.memref_squeeze %dma_start3A_263 : memref<1x128x128xf32, #tpu.memory_space<vmem>> -> memref<128x128xf32, #tpu.memory_space<vmem>>
      tpu.enqueue_dma source(%dma_start3A_264 : memref<128x128xf32, #tpu.memory_space<vmem>>) target(%dma_start3A_260 : memref<128x128xf32, #tpu.memory_space<hbm>>) target_semaphore(%arg10 : memref<!tpu.dma_semaphore, #tpu.memory_space<semaphore_mem>>)
    }
    %scan3A_168 = arith.constant 100 : i32
    %dma_wait3A_169 = arith.constant 1 : i32
    %dma_wait3A_170 = arith.constant 199 : i32
    %dma_wait3A_171 = arith.constant 0 : i32
    %dma_wait3A_172 = arith.constant 0 : i32
    %dma_wait3A_173 = tpu.memref_slice %arg7[%dma_wait3A_169, %dma_wait3A_171, %dma_wait3A_172] : memref<2x128x128xf32, #tpu.memory_space<vmem>> -> memref<1x128x128xf32, #tpu.memory_space<vmem>>
    %dma_wait3A_174 = tpu.memref_squeeze %dma_wait3A_173 : memref<1x128x128xf32, #tpu.memory_space<vmem>> -> memref<128x128xf32, #tpu.memory_space<vmem>>
    %dma_wait3A_175 = arith.constant 0 : i32
    %dma_wait3A_176 = tpu.memref_slice %arg4[%dma_wait3A_170, %mul3A_2, %dma_wait3A_175] : memref<200x4096x128xf32, #tpu.memory_space<hbm>> -> memref<1x128x128xf32, #tpu.memory_space<hbm>>
    %dma_wait3A_177 = tpu.memref_squeeze %dma_wait3A_176 : memref<1x128x128xf32, #tpu.memory_space<hbm>> -> memref<128x128xf32, #tpu.memory_space<hbm>>
    %dma_wait3A_178 = arith.constant 0 : i32
    %dma_wait3A_179 = tpu.memref_slice %arg4[%dma_wait3A_170, %mul3A_2, %dma_wait3A_178] : memref<200x4096x128xf32, #tpu.memory_space<hbm>> -> memref<1x128x128xf32, #tpu.memory_space<hbm>>
    %dma_wait3A_180 = tpu.memref_squeeze %dma_wait3A_179 : memref<1x128x128xf32, #tpu.memory_space<hbm>> -> memref<128x128xf32, #tpu.memory_space<hbm>>
    %dma_wait3A_181 = arith.constant 0 : i32
    %dma_wait3A_182 = arith.constant 0 : i32
    %dma_wait3A_183 = tpu.memref_slice %arg7[%dma_wait3A_169, %dma_wait3A_181, %dma_wait3A_182] : memref<2x128x128xf32, #tpu.memory_space<vmem>> -> memref<1x128x128xf32, #tpu.memory_space<vmem>>
    %dma_wait3A_184 = tpu.memref_squeeze %dma_wait3A_183 : memref<1x128x128xf32, #tpu.memory_space<vmem>> -> memref<128x128xf32, #tpu.memory_space<vmem>>
    tpu.wait_dma2 semaphore(%arg10 : memref<!tpu.dma_semaphore, #tpu.memory_space<semaphore_mem>>) src(%dma_wait3A_184 : memref<128x128xf32, #tpu.memory_space<vmem>>) dst(%dma_wait3A_180 : memref<128x128xf32, #tpu.memory_space<hbm>>)
    return
  }
}

module attributes {stable_mosaic.version = 14 : i64} {
  func.func @_table_body(%arg0: i32, %arg1: memref<64x4096xf32, #tpu.memory_space<vmem>>, %arg2: memref<64x4096xf32, #tpu.memory_space<vmem>>, %arg3: memref<4096x128xf32, #tpu.memory_space<vmem>>) attributes {dimension_semantics = [#tpu.dimension_semantics<arbitrary>], iteration_bounds = array<i64: 123>, scalar_prefetch = 0 : i64, scratch_operands = 0 : i64, tpu.core_type = #tpu.core_type<tc>, window_params = [{transform_indices = @transform_0, window_bounds = array<i64: 64, 4096>}, {transform_indices = @transform_1, window_bounds = array<i64: 64, 4096>}, {transform_indices = @transform_2, window_bounds = array<i64: 4096, 128>}]} {
    %get3A = arith.constant 0 : index
    %get3A_0 = arith.constant 0 : index
    %get3A_1 = vector.load %arg1[%get3A, %get3A_0] : memref<64x4096xf32, #tpu.memory_space<vmem>>, vector<64x4096xf32>
    %transpose3A = tpu.transpose %get3A_1, [1, 0] : vector<64x4096xf32> -> vector<4096x64xf32>
    %swap3A = arith.constant 0 : index
    %swap3A_2 = arith.constant 0 : index
    %swap3A_3 = vector.load %arg3[%swap3A, %swap3A_2] : memref<4096x128xf32, #tpu.memory_space<vmem>>, vector<4096x64xf32>
    tpu.vector_store %arg3[%swap3A, %swap3A_2], %transpose3A {strides = array<i32>} : memref<4096x128xf32, #tpu.memory_space<vmem>>, vector<4096x64xf32>,
    %get3A_4 = arith.constant 0 : index
    %get3A_5 = arith.constant 0 : index
    %get3A_6 = vector.load %arg2[%get3A_4, %get3A_5] : memref<64x4096xf32, #tpu.memory_space<vmem>>, vector<64x4096xf32>
    %transpose3A_7 = tpu.transpose %get3A_6, [1, 0] : vector<64x4096xf32> -> vector<4096x64xf32>
    %swap3A_8 = arith.constant 0 : index
    %swap3A_9 = arith.constant 64 : index
    %swap3A_10 = vector.load %arg3[%swap3A_8, %swap3A_9] : memref<4096x128xf32, #tpu.memory_space<vmem>>, vector<4096x64xf32>
    tpu.vector_store %arg3[%swap3A_8, %swap3A_9], %transpose3A_7 {strides = array<i32>} : memref<4096x128xf32, #tpu.memory_space<vmem>>, vector<4096x64xf32>,
    return
  }
  func.func @transform_0(%arg0: i32) -> (i32, i32) {
    %c0_i32 = arith.constant 0 : i32
    %c0_i32_0 = arith.constant 0 : i32
    return %c0_i32, %arg0 : i32, i32
  }
  func.func @transform_1(%arg0: i32) -> (i32, i32) {
    %add3A = arith.constant 122 : i32
    %add3A_0 = arith.addi %arg0, %add3A : i32
    %c0_i32 = arith.constant 0 : i32
    %c0_i32_1 = arith.constant 0 : i32
    return %c0_i32, %add3A_0 : i32, i32
  }
  func.func @transform_2(%arg0: i32) -> (i32, i32) {
    %c0_i32 = arith.constant 0 : i32
    %c0_i32_0 = arith.constant 0 : i32
    return %arg0, %c0_i32 : i32, i32
  }
}

module attributes {stable_mosaic.version = 14 : i64} {
  func.func @_out_body(%arg0: i32, %arg1: memref<1x4096x128xf32, #tpu.memory_space<vmem>>, %arg2: memref<1x1x4096xi32, #tpu.memory_space<vmem>>, %arg3: memref<1x64x4096xf32, #tpu.memory_space<vmem>>) attributes {dimension_semantics = [#tpu.dimension_semantics<arbitrary>], iteration_bounds = array<i64: 200>, scalar_prefetch = 0 : i64, scratch_operands = 0 : i64, tpu.core_type = #tpu.core_type<tc>, window_params = [{transform_indices = @transform_0, window_bounds = array<i64: 1, 4096, 128>}, {transform_indices = @transform_1, window_bounds = array<i64: 1, 1, 4096>}, {transform_indices = @transform_2, window_bounds = array<i64: 1, 64, 4096>}]} {
    %get3A = arith.constant 0 : index
    %get3A_0 = arith.constant 0 : index
    %get3A_1 = arith.constant 0 : index
    %get3A_2 = vector.load %arg2[%get3A, %get3A_0, %get3A_1] : memref<1x1x4096xi32, #tpu.memory_space<vmem>>, vector<1x1x4096xi32>
    %get3A_3 = vector.shape_cast %get3A_2 : vector<1x1x4096xi32> to vector<1x4096xi32>
    %ge3A = arith.constant 499712 : i32
    %ge3A_4 = vector.broadcast %ge3A : i32 to vector<1x4096xi32>
    %ge3A_5 = arith.cmpi sge, %get3A_3, %ge3A_4 : vector<1x4096xi32>
    %get3A_6 = arith.constant 0 : index
    %get3A_7 = arith.constant 0 : index
    %get3A_8 = arith.constant 0 : index
    %get3A_9 = vector.load %arg1[%get3A_6, %get3A_7, %get3A_8] : memref<1x4096x128xf32, #tpu.memory_space<vmem>>, vector<1x4096x64xf32>
    %get3A_10 = vector.shape_cast %get3A_9 : vector<1x4096x64xf32> to vector<4096x64xf32>
    %transpose3A = tpu.transpose %get3A_10, [1, 0] : vector<4096x64xf32> -> vector<64x4096xf32>
    %get3A_11 = arith.constant 0 : index
    %get3A_12 = arith.constant 0 : index
    %get3A_13 = arith.constant 64 : index
    %get3A_14 = vector.load %arg1[%get3A_11, %get3A_12, %get3A_13] : memref<1x4096x128xf32, #tpu.memory_space<vmem>>, vector<1x4096x64xf32>
    %get3A_15 = vector.shape_cast %get3A_14 : vector<1x4096x64xf32> to vector<4096x64xf32>
    %transpose3A_16 = tpu.transpose %get3A_15, [1, 0] : vector<4096x64xf32> -> vector<64x4096xf32>
    %ne3A = arith.constant 0 : i32
    %ne3A_17 = vector.broadcast %ne3A : i32 to vector<1x4096xi32>
    %ne3A_18 = arith.cmpi ne, %get3A_3, %ne3A_17 : vector<1x4096xi32>
    %convert_element_type3A = arith.extui %ne3A_18 : vector<1x4096xi1> to vector<1x4096xi32>
    %convert_element_type3A_19 = arith.sitofp %convert_element_type3A : vector<1x4096xi32> to vector<1x4096xf32>
    %broadcast_in_dim3A = vector.shape_cast %ge3A_5 : vector<1x4096xi1> to vector<1x4096xi1>
    %broadcast_in_dim3A_20 = vector.broadcast %broadcast_in_dim3A : vector<1x4096xi1> to vector<64x4096xi1>
    %select_n3A = arith.select %broadcast_in_dim3A_20, %transpose3A_16, %transpose3A : vector<64x4096xi1>, vector<64x4096xf32>
    %mul3A = vector.broadcast %convert_element_type3A_19 : vector<1x4096xf32> to vector<64x4096xf32>
    %mul3A_21 = arith.mulf %select_n3A, %mul3A : vector<64x4096xf32>
    %swap3A = arith.constant 0 : index
    %swap3A_22 = arith.constant 0 : index
    %swap3A_23 = arith.constant 0 : index
    %swap3A_24 = vector.load %arg3[%swap3A, %swap3A_22, %swap3A_23] : memref<1x64x4096xf32, #tpu.memory_space<vmem>>, vector<1x64x4096xf32>
    %swap3A_25 = vector.shape_cast %swap3A_24 : vector<1x64x4096xf32> to vector<64x4096xf32>
    %swap3A_26 = vector.shape_cast %mul3A_21 : vector<64x4096xf32> to vector<1x64x4096xf32>
    tpu.vector_store %arg3[%swap3A, %swap3A_22, %swap3A_23], %swap3A_26 {strides = array<i32>} : memref<1x64x4096xf32, #tpu.memory_space<vmem>>, vector<1x64x4096xf32>,
    return
  }
  func.func @transform_0(%arg0: i32) -> (i32, i32, i32) {
    %c0_i32 = arith.constant 0 : i32
    %c0_i32_0 = arith.constant 0 : i32
    %c0_i32_1 = arith.constant 0 : i32
    return %arg0, %c0_i32, %c0_i32_0 : i32, i32, i32
  }
  func.func @transform_1(%arg0: i32) -> (i32, i32, i32) {
    %c0_i32 = arith.constant 0 : i32
    %c0_i32_0 = arith.constant 0 : i32
    %c0_i32_1 = arith.constant 0 : i32
    return %arg0, %c0_i32, %c0_i32_0 : i32, i32, i32
  }
  func.func @transform_2(%arg0: i32) -> (i32, i32, i32) {
    %c0_i32 = arith.constant 0 : i32
    %c0_i32_0 = arith.constant 0 : i32
    %c0_i32_1 = arith.constant 0 : i32
    return %arg0, %c0_i32, %c0_i32_0 : i32, i32, i32
  }
}

</mosaic_0001>

<sc_bundles>
// kernel: kernel.5.cloned.1.call-start
scs
__scs_entry_jumppad:
0x0: {  	(pc) =	sbr.rel $0x88, $3  }
0x1: {  	(tag) =	ssettag $0x0;
	lr =	simm.s32 $0x1  }
0x2: {  	[smem:$0x3F9F] =	sst lr;
	_ =	strace $0xD0000000  }
0x3: {  	_ = 	snop  }
0x4: {  	_ = 	snop  }
0x5: {  	_ = 	snop  }
0x6: {  	_ = 	snop  }
0x7: {  	_ = 	snop  }
__scs_overlays_trampoline_lowered:
0x8: {  	[smem:$0x3FAE] =	sst s0  }
0x9: {  	[smem:$0x3FAF] =	sst s1  }
0xa: {  	[smem:$0x3FB0] =	sst s2  }
0xb: {  	[smem:$0x3FB1] =	sst s3  }
0xc: {  	[smem:$0x3FB2] =	sst s4  }
0xd: {  	[smem:$0x3FB3] =	sst s5  }
0xe: {  	[smem:$0x3FB4] =	sst s6  }
0xf: {  	[smem:$0x3FB5] =	sst s7  }
0x10: {  	[smem:$0x3FB6] =	sst s8  }
0x11: {  	[smem:$0x3FB7] =	sst s9;
	s0 =	simm.s32 @!p0 $0x0  }
0x12: {  	s1 =	sld [smem:$0x3F9D];
	s0 =	simm.s32 @p0 $0x1  }
0x13: {  	[smem:$0x3FB8] =	sst s0;
	s0 =	simm.s32 @!p1 $0x0  }
0x14: {  	s2 =	sld [smem:$0x3F9C];
	s0 =	simm.s32 @p1 $0x1  }
0x15: {  	[smem:$0x3FB9] =	sst s0;
	s0 =	simm.s32 @!p2 $0x0  }
0x16: {  	s3 =	sld [smem:$0x3FDB];
	s0 =	simm.s32 @p2 $0x1  }
0x17: {  	s4 =	simm.s32 $0x1BF5;
	[smem:$0x3FBB] =	sst s0  }
0x18: {  	s0 =	sld [smem:$0x3F9E];
	_ =	swait.ge [sflag:s4], $0x0  }
0x19: {  	s7 =	sld [smem:$0x3F9F]  }
0x1a: {  	s8 =	sadd.s32 $0xFFFFE003, lr  }
0x1b: {  	s9 =	sadd.s32 $0xFFFFFEF7, lr;
	s5 =	simm.s32 $0xFFFFFFFF;
	p2 =	slt.u32 s8, $0xFFFFF086  }
0x1c: {  	p1 =	slt.u32 s9, $0xF7A;
	s5 =	simm.s32 @!p2 $0x0  }
0x1d: {  	s5 =	simm.s32 @p1 $0x1;
	p0 =	seq.s32 s7, s2  }
0x1e: {  	s7 =	smul.u32 @!p0 $0xF7A, s2;
	p2 =	seq.s32 @!p0 s5, $0x0  }
0x1f: {  	s9 =	smul.u32 $0xF7A, s1;
	s8 =	simm.s32 @!p0 $0x1BF5;
	p2 =	por !p2, p0  }
0x20: {  	[sflag:s8] =	ssyncset.s32 @!p0 $0xFFFFF086;
	s6 =	sadd.s32 @!p0 s3, s7;
	s7 =	simm.s32 @!p0 $0x108  }
0x21: {  	s3 =	sadd.s32 s3, s9;
	s6 =	sadd.s32 @!p0 $0x88, s6;
	s7 =	simm.s32 @p2 $0x1082  }
0x22: {  	[simem:s7], [sflag:s8] =	dma.local @!p0 [hbm:s6], $0xF7A  }
0x23: {  	s9 =	sor.u32 $0xD0000000, s2;
	s6 =	simm.s32 $0x108;
	_ =	swait.ge @!p0 [sflag:s8], $0x0  }
0x24: {  	s3 =	sadd.s32 $0x88, s3;
	s6 =	simm.s32 @!p1 $0x1082;
	[sflag:s4] =	ssyncset.s32 $0xFFFFF086  }
0x25: {  	[simem:s6], [sflag:s4] =	dma.local [hbm:s3], $0xF7A  }
0x26: {  	[smem:$0x3F9F] =	sst s1;
	(tag) =	ssettag s2;
	_ =	strace s9  }
0x27: {  	s1 =	sld [smem:$0x3FAF]  }
0x28: {  	s2 =	sld [smem:$0x3FB0]  }
0x29: {  	s4 =	sld [smem:$0x3FB2]  }
0x2a: {  	p0 =	seq.s32 s5, $0x0;
	s5 =	sld [smem:$0x3FB3]  }
0x2b: {  	s6 =	sld [smem:$0x3FB4]  }
0x2c: {  	s7 =	sld [smem:$0x3FB5]  }
0x2d: {  	s3 =	simm.s32 $0x108;
	s8 =	sld [smem:$0x3FB6]  }
0x2e: {  	s3 =	simm.s32 @!p0 $0x1082;
	s9 =	sld [smem:$0x3FB7]  }
0x2f: {  	lr =	sadd.s32 s0, s3;
	s0 =	sld [smem:$0x3FAE]  }
0x30: {  	s3 =	sld [smem:$0x3FB1]  }
0x31: {  	[smem:$0x3FBA] =	sst s10  }
0x32: {  	s10 =	sld [smem:$0x3FB8];
	_ =	sdelay $0x3  }
0x33: {  	p0 =	seq.s32 s10, $0x1;
	s10 =	sld [smem:$0x3FBA];
	_ =	sdelay $0x3  }
0x34: {  	[smem:$0x3FBA] =	sst s10  }
0x35: {  	s10 =	sld [smem:$0x3FB9];
	_ =	sdelay $0x3  }
0x36: {  	p1 =	seq.s32 s10, $0x1;
	s10 =	sld [smem:$0x3FBA];
	_ =	sdelay $0x3  }
0x37: {  	[smem:$0x3FBA] =	sst s10  }
0x38: {  	s10 =	sld [smem:$0x3FBB]  }
0x39: {  	_ = 	snop;
	(pc) =	sbr.ind lr, $3  }
0x3a: {  	_ = 	snop  }
0x3b: {  	_ = 	snop  }
0x3c: {  	p2 =	seq.s32 s10, $0x1;
	s10 =	sld [smem:$0x3FBA]  }
0x3d: {  	_ =	shalt  }
0x3e: {  	_ =	shalt  }
0x3f: {  	_ =	shalt  }
0x40: {  	_ =	shalt  }
0x41: {  	_ =	shalt  }
0x42: {  	_ =	shalt  }
0x43: {  	_ =	shalt  }
0x44: {  	_ =	shalt  }
0x45: {  	_ =	shalt  }
0x46: {  	_ =	shalt  }
0x47: {  	_ =	shalt  }
0x48: {  	_ =	shalt  }
0x49: {  	_ =	shalt  }
0x4a: {  	_ =	shalt  }
0x4b: {  	_ =	shalt  }
0x4c: {  	_ =	shalt  }
0x4d: {  	_ =	shalt  }
0x4e: {  	_ =	shalt  }
0x4f: {  	_ =	shalt  }
0x50: {  	_ =	shalt  }
0x51: {  	_ =	shalt  }
0x52: {  	_ =	shalt  }
0x53: {  	_ =	shalt  }
0x54: {  	_ =	shalt  }
0x55: {  	_ =	shalt  }
0x56: {  	_ =	shalt  }
0x57: {  	_ =	shalt  }
0x58: {  	_ =	shalt  }
0x59: {  	_ =	shalt  }
0x5a: {  	_ =	shalt  }
0x5b: {  	_ =	shalt  }
0x5c: {  	_ =	shalt  }
0x5d: {  	_ =	shalt  }
0x5e: {  	_ =	shalt  }
0x5f: {  	_ =	shalt  }
0x60: {  	_ =	shalt  }
0x61: {  	_ =	shalt  }
0x62: {  	_ =	shalt  }
0x63: {  	_ =	shalt  }
0x64: {  	_ =	shalt  }
0x65: {  	_ =	shalt  }
0x66: {  	_ =	shalt  }
0x67: {  	_ =	shalt  }
0x68: {  	_ =	shalt  }
0x69: {  	_ =	shalt  }
0x6a: {  	_ =	shalt  }
0x6b: {  	_ =	shalt  }
0x6c: {  	_ =	shalt  }
0x6d: {  	_ =	shalt  }
0x6e: {  	_ =	shalt  }
0x6f: {  	_ =	shalt  }
0x70: {  	_ =	shalt  }
0x71: {  	_ =	shalt  }
0x72: {  	_ =	shalt  }
0x73: {  	_ =	shalt  }
0x74: {  	_ =	shalt  }
0x75: {  	_ =	shalt  }
0x76: {  	_ =	shalt  }
0x77: {  	_ =	shalt  }
0x78: {  	_ =	shalt  }
0x79: {  	_ =	shalt  }
0x7a: {  	_ =	shalt  }
0x7b: {  	_ =	shalt  }
0x7c: {  	_ =	shalt  }
0x7d: {  	_ =	shalt  }
0x7e: {  	_ =	shalt  }
0x7f: {  	_ =	shalt  }
0x80: {  	_ =	shalt  }
0x81: {  	_ =	shalt  }
0x82: {  	_ =	shalt  }
0x83: {  	_ =	shalt  }
0x84: {  	_ =	shalt  }
0x85: {  	_ =	shalt  }
0x86: {  	_ =	shalt  }
0x87: {  	_ =	shalt  }
.Lfunc_end0:
.L_simem_size_0:
called_computation_lowered:
.L_overlay_start_0:
0x88: {  	s2 =	sld [smem:$0x3FD9]  }
0x89: {  	s3 =	sld [smem:$0x3FFE];
	_ =	sdelay $0x1  }
0x8a: {  	s1 =	srdreg.scid  }
0x8b: {  	s0 =	sand.u32 $0x1, s1  }
0x8c: {  	s17 =	sshll.u32 s0, $0xA;
	s2 =	sadd.s32 s3, s2  }
0x8d: {  	s2 =	sadd.s32 s2, s17  }
0x8e: {  	[smem:$0x3FC6] =	sst s2  }
0x8f: {  	_ = 	snop  }
0x90: {  	s2 =	sld [smem:$0x3FC9];
	(tm) =	ssettm $0x1  }
0x91: {  	s18 =	sld [smem:$0x3FFB];
	_ =	sdelay $0x3  }
0x92: {  	_ =	strace s18  }
0x93: {  	s3 =	sld [smem:$0x3FFC];
	_ =	sdelay $0x3  }
0x94: {  	_ =	strace s3  }
0x95: {  	s3 =	sld [smem:$0x3FFD];
	_ =	sdelay $0x3  }
0x96: {  	_ =	strace s3  }
0x97: {  	_ =	strace $0x8FFFFFFF  }
0x98: {  	s19 =	sld [smem:$0x3FDB];
	_ =	sdelay $0x1  }
0x99: {  	s4 =	simm.s32 $_scs_section_size  }
0x9a: {  	s5 =	simm.s32 $_size__tile_overlayer_lowered;
	s6 =	simm.s32 $_tile_overlayer_lowered  }
0x9b: {  	s22 =	simm.s32 $0x1BFF;
	s21 =	sshll.u32 s6, $0x1;
	s3 =	sadd.s32 s4, s19  }
0x9c: {  	s7 =	simm.s32 $0x0;
	s20 =	sshll.u32 s5, $0x1;
	s5 =	sadd.s32 s21, s3  }
0x9d: {  	[timem:s7], [sflag:s22] =	dma.local [hbm:s5], s20  }
0x9e: {  	_ =	swait.ge [sflag:s22], s20  }
0x9f: {  	s4 =	ssub.s32 $0x0, s20;
	[sflag:s22] =	ssyncset.done $0x0  }
0xa0: {  	[sflag:s22] =	ssyncadd.s32 s4;
	_ =	sdelay $0x1  }
0xa1: {  	s23 =	simm.s32 $0x1B8B  }
0xa2: {  	_ =	swait.ge [sflag:s23], $0x1  }
0xa3: {  	[sflag:s23] =	ssyncset.done $0x0  }
0xa4: {  	s25 =	simm.s32 $0x1B8E;
	s24 =	sld [smem:$0x3FFE];
	[sflag:s23] =	ssyncadd.s32 $0xFFFFFFFF  }
0xa5: {  	s26 =	simm.s32 $execute0_lowered;
	[smem:$0x3FD2] =	sst s25  }
0xa6: {  	s5 =	sshll.u32 s26, $0x1;
	_ =	strace $0x80000046;
	[dreg:$0x1] =	wrdreg $0xFFFFFFFF  }
0xa7: {  	s28 =	simm.s32 $_size_execute0_lowered;
	s3 =	sadd.s32 s3, s5;
	[dreg:$0x0] =	wrdreg $0x0  }
0xa8: {  	s5 =	sshll.u32 s28, $0x1;
	[dreg:$0x2] =	wrdreg s3  }
0xa9: {  	[dreg:$0x3] =	wrdreg s5  }
0xaa: {  	[dreg:$0x4] =	wrdreg $0xC0  }
0xab: {  	_ =	task [dreg:s7], $0x5FFFF  }
0xac: {  	[dreg:$0x1] =	wrdreg $0xFFFFFFFF  }
0xad: {  	[dreg:$0x0] =	wrdreg $0x60  }
0xae: {  	[dreg:$0x2] =	wrdreg s2  }
0xaf: {  	[dreg:$0x3] =	wrdreg s24  }
0xb0: {  	[dreg:$0x4] =	wrdreg $0x9  }
0xb1: {  	_ =	task.clear_ibuf [dreg:s7], $0x5FFFF;
	_ =	strace $0x90000046  }
0xb2: {  	s29 =	simm.s32 $0x9;
	_ =	strace $0x80000048  }
0xb3: {  	_ =	swait.ge [sflag:s29], $0x1  }
0xb4: {  	[sflag:s29] =	ssyncadd.s32 $0xFFFFFFFF  }
0xb5: {  	_ =	strace $0x90000048  }
0xb6: {  	_ =	sfence  }
0xb7: {  	s30 =	sld [smem:$0x0];
	_ =	sdelay $0x2  }
0xb8: {  	s31 =	sshll.u32 s1, $0xD;
	s1 =	sshrl.u32 s1, $0x2  }
0xb9: {  	s3 =	sand.u32 $0x4000, s31;
	s1 =	sadd.s32 s1, s30  }
0xba: {  	s0 =	sor.u32 s3, s0;
	s1 =	sshll.u32 s1, $0x11  }
0xbb: {  	s0 =	sor.u32 s1, s0  }
0xbc: {  	s0 =	sadd.s32 $0x8F2B, s0  }
0xbd: {  	[sflag:s0] =	ssyncadd.remote.s32 $0x1  }
0xbe: {  	_ =	sfence.sel $0xFFFF  }
0xbf: {  	[dreg:$0x0] =	wrdreg $0xFFFFFFFF;
	(pc) =	sbr.abs _section_cstart, $3  }
0xc0: {  	[dreg:$0x1] =	wrdreg $0xFFFFFFFF  }
0xc1: {  	_ =	task.clear_ibuf [dreg:s7], $0x2FFFF;
	_ =	strace $0x9FFFFFFF  }
0xc2: {  	(tm) =	ssettm $0x7FFFFFFF  }
0xc3: {  	_ =	shalt  }
tec
execute0_lowered:
.L_overlay_start_1:
0x0: {  	(tag) =	ssettag $0x1  }
0x1: {  	s4 =	rddreg [dreg:$0x0]  }
0x2: {  	s2 =	rddreg [dreg:$0x1]  }
0x3: {  	s0 =	rddreg [dreg:$0x2];
	s1 =	simm.s32 $0x0  }
0x4: {  	s5 =	srdreg.scid;
	s11 =	simm.s32 $0x200;
	s12 =	simm.s32 $0x400  }
0x5: {  	s13 =	simm.s32 $0x4400;
	s14 =	simm.s32 $0x2;
	s15 =	simm.s32 $0x3  }
0x6: {  	s16 =	simm.s32 $0x0;
	[smem:$0x7FF] =	sst s1;
	s3 =	sadd.s32 $0x600, s2  }
0x7: {  	s5 =	sand.u32 $0x1, s5;
	s8 =	sadd.s32 $0x7A2A00, s2;
	s2 =	stileid.u32  }
0x8: {  	_ =	strace $0x80000047;
	s6 =	ssub.s32 $0x2, s5;
	s9 =	sshll.u32 s2, $0x8  }
0x9: {  	s10 =	sshll.u32 s5, $0x7;
	s28 =	sshll.u32 s2, $0xF;
	s5 =	sshll.u32 s5, $0xE  }
.Ltmp0:
0xa: {  	s7 =	sshrl.u32 s6, $0x1;
	s9 =	sor.u32 s10, s9;
	(pc) =	sbr.rel .LBB2_1-.Ltmp0, $4  }
0xb: {  	s29 =	sor.u32 s5, s28;
	s6 =	ssub.s32 s6, s7;
	s4 =	sadd.s32 s4, s9  }
0xc: {  	s30 =	sshrl.u32 s29, $0x3;
	s10 =	sor.u32 $0x80000, s29;
	s9 =	simm.s32 $0x80  }
0xd: {  	s5 =	sadd.s32 $0x10, s4;
	s6 =	smax.u32 s6, $0x1;
	s31 =	sshrl.u32 s10, $0x3  }
0xe: {  	s7 =	sadd.s32 s30, s8;
	s10 =	simm.s32 $0x1;
	s8 =	sadd.s32 s31, s8  }
.LBB2_9:
0xf: {  	s16 =	sadd.s32 $0x1, s16  }
0x10: {  	p0 =	sne.s32 s16, s6  }
.Ltmp1:
0x11: {  	_ = 	snop;
	(pc) =	sbr.rel @!p0 .LBB2_10-.Ltmp1, $4  }
0x12: {  	_ = 	snop  }
0x13: {  	_ =	swait.ge [sflag:s15], $0x4000  }
0x14: {  	[sflag:s15] =	ssyncset.done $0x0  }
0x15: {  	[sflag:s15] =	ssyncadd.s32 $0xFFFFC000  }
.LBB2_1:
0x16: {  	[tilespmem:s1], [sflag:$0x1] =	stream.linear.gather [hbm4b:s4+s1], $0x80, $0x38;
	[tilespmem:$0x8400] =	vst v63  }
0x17: {  	_ = 	snop  }
0x18: {  	[tilespmem:s9], [sflag:$0x1] =	stream.linear.gather [hbm4b:s5+s1], $0x80, $0x38;
	[tilespmem:$0x8400] =	vst v63  }
0x19: {  	_ =	swait.ge [sflag:s10], $0x80  }
0x1a: {  	[sflag:s10] =	ssyncset.done $0x0  }
0x1b: {  	[sflag:s10] =	ssyncadd.s32 $0xFFFFFF80  }
0x1c: {  	v0 =	vld [tilespmem:$0x0]  }
0x1d: {  	v1 =	vld [tilespmem:$0x10]  }
0x1e: {  	v2 =	vld [tilespmem:$0x20]  }
0x1f: {  	v3 =	vld [tilespmem:$0x30]  }
0x20: {  	v4 =	vld [tilespmem:$0x40]  }
0x21: {  	v6 =	vld [tilespmem:$0x50];
	vm0 =	vgt.s32 v0, $0x79FFF;
	v5 =	vadd.s32 $0xFFF86000, v0  }
0x22: {  	v7 =	vld [tilespmem:$0x60];
	vm9 =	vgt.s32 v1, $0x79FFF;
	v49 =	vadd.s32 $0xFFF86000, v1;
	v0 =	vsel vm0, v5, v0  }
0x23: {  	v52 =	vld [tilespmem:$0x70];
	vm10 =	vgt.s32 v2, $0x79FFF;
	v51 =	vadd.s32 $0xFFF86000, v2;
	v50 =	vsel vm9, v49, v1;
	[tilespmem:$0x200] =	vst v0  }
0x24: {  	vm11 =	vgt.s32 v3, $0x79FFF;
	v54 =	vadd.s32 $0xFFF86000, v3;
	v53 =	vsel vm10, v51, v2;
	[tilespmem:$0x210] =	vst v50  }
0x25: {  	vm12 =	vgt.s32 v4, $0x79FFF;
	v56 =	vadd.s32 $0xFFF86000, v4;
	v55 =	vsel vm11, v54, v3;
	[tilespmem:$0x220] =	vst v53  }
0x26: {  	vm13 =	vgt.s32 v6, $0x79FFF;
	v58 =	vadd.s32 $0xFFF86000, v6;
	v57 =	vsel vm12, v56, v4;
	[tilespmem:$0x230] =	vst v55  }
.Ltmp2:
0x27: {  	vm14 =	vgt.s32 v7, $0x79FFF;
	v60 =	vadd.s32 $0xFFF86000, v7;
	v59 =	vsel vm13, v58, v6;
	[tilespmem:$0x240] =	vst v57;
	(pc) =	sbr.rel .LBB2_2-.Ltmp2, $4  }
0x28: {  	vm15 =	vgt.s32 v52, $0x79FFF;
	v62 =	vadd.s32 $0xFFF86000, v52;
	v61 =	vsel vm14, v60, v7;
	[tilespmem:$0x250] =	vst v59  }
0x29: {  	s17 =	simm.s32 $0x30;
	s18 =	simm.s32 $0x600;
	v63 =	vsel vm15, v62, v52;
	[tilespmem:$0x260] =	vst v61  }
0x2a: {  	s19 =	smov.u32 s8;
	s20 =	smov.u32 s7;
	s21 =	simm.s32 $0x0;
	[tilespmem:$0x270] =	vst v63  }
0x2b: {  	[tilespmem:s12], [sflag:$0x2] =	stream.indirect.gather [hbm4b:s3+s9], $0x80, s11, s9, $0xb8;
	[tilespmem:$0x8400] =	vst v63  }
.LBB2_8:
0x2c: {  	s21 =	sadd.s32 @!p0 $0x3, s21  }
0x2d: {  	s23 =	sand.u32 @!p0 $0xFF, s21  }
0x2e: {  	s23 =	smul.u32 @!p0 $0xAB, s23;
	_ =	sdelay $0x1  }
0x2f: {  	s23 =	sshrl.u32 @!p0 s23, $0x9  }
0x30: {  	s23 =	smul.u32 @!p0 $0x3, s23;
	_ =	sdelay $0x1  }
0x31: {  	s24 =	sand.u32 @!p0 $0x3F000, s18;
	s21 =	ssub.s32 @!p0 s21, s23;
	s23 =	sand.u32 @!p0 $0x70, s17  }
0x32: {  	s23 =	sor.u32 @!p0 s23, s24;
	s21 =	sand.u32 @!p0 $0xFF, s21  }
0x33: {  	s24 =	simm.s32 @!p0 $0x0;
	s21 =	sshll.u32 @!p0 s21, $0x7;
	s23 =	sadd.s32 @!p0 s23, s4  }
0x34: {  	[tilespmem:s21], [sflag:$0x1] =	stream.linear.gather @!p0 [hbm4b:s23+s24], $0x80, $0x38;
	[tilespmem:$0x8400] =	vst v63  }
0x35: {  	p0 =	sne.s32 s22, $0xC8  }
.Ltmp3:
0x36: {  	_ =	swait.ge [sflag:s14], $0x4000;
	(pc) =	sbr.rel @!p0 .LBB2_9-.Ltmp3, $4  }
0x37: {  	[sflag:s14] =	ssyncset.done $0x0  }
0x38: {  	s20 =	sadd.s32 $0x20000, s20;
	s18 =	sadd.s32 $0x400, s18;
	[sflag:s14] =	ssyncadd.s32 $0xFFFFC000  }
0x39: {  	[hbm4b:s19+s1] =	stream.linear.scatter [tilespmem:s13], [sflag:$0x3], $0x4000, $0x38;
	[tilespmem:$0x8400] =	vst v63  }
0x3a: {  	s17 =	sadd.s32 $0x20, s17;
	s21 =	smov.u32 s22;
	s19 =	sadd.s32 $0x20000, s19  }
.LBB2_2:
0x3b: {  	s22 =	sadd.s32 $0x1, s21  }
0x3c: {  	s23 =	smul.u32 $0xAB, s22;
	_ =	sdelay $0x1  }
0x3d: {  	s23 =	sshrl.u32 s23, $0x9  }
0x3e: {  	s23 =	sand.u32 $0x7F, s23  }
0x3f: {  	s23 =	smul.u32 $0x3, s23;
	_ =	sdelay $0x1  }
0x40: {  	_ =	swait.ge [sflag:s10], $0x80;
	s23 =	ssub.s32 s22, s23  }
0x41: {  	[sflag:s10] =	ssyncset.done $0x0;
	s23 =	sand.u32 $0xFF, s23  }
0x42: {  	[sflag:s10] =	ssyncadd.s32 $0xFFFFFF80;
	s24 =	sshll.u32 s23, $0x7  }
0x43: {  	v0 =	vld [tilespmem:s24+$0x0];
	_ =	sdelay $0x4  }
0x44: {  	vm0 =	vgt.s32 v0, $0x79FFF;
	v1 =	vadd.s32 $0xFFF86000, v0  }
0x45: {  	s23 =	sor.u32 $0x200, s24;
	v0 =	vsel vm0, v1, v0  }
0x46: {  	[tilespmem:s23+$0x0] =	vst v0  }
0x47: {  	v0 =	vld [tilespmem:s24+$0x10];
	_ =	sdelay $0x4  }
0x48: {  	vm9 =	vgt.s32 v0, $0x79FFF;
	v57 =	vadd.s32 $0xFFF86000, v0  }
0x49: {  	s25 =	sor.u32 $0x210, s24;
	v0 =	vsel vm9, v57, v0  }
0x4a: {  	[tilespmem:s25+$0x0] =	vst v0  }
0x4b: {  	v0 =	vld [tilespmem:s24+$0x20];
	_ =	sdelay $0x4  }
0x4c: {  	vm10 =	vgt.s32 v0, $0x79FFF;
	v58 =	vadd.s32 $0xFFF86000, v0  }
0x4d: {  	s26 =	sor.u32 $0x220, s24;
	v0 =	vsel vm10, v58, v0  }
0x4e: {  	[tilespmem:s26+$0x0] =	vst v0  }
0x4f: {  	v0 =	vld [tilespmem:s24+$0x30];
	_ =	sdelay $0x4  }
0x50: {  	vm11 =	vgt.s32 v0, $0x79FFF;
	v59 =	vadd.s32 $0xFFF86000, v0  }
0x51: {  	s28 =	sor.u32 $0x230, s24;
	v0 =	vsel vm11, v59, v0  }
0x52: {  	[tilespmem:s28+$0x0] =	vst v0  }
0x53: {  	v0 =	vld [tilespmem:s24+$0x40];
	_ =	sdelay $0x4  }
0x54: {  	vm12 =	vgt.s32 v0, $0x79FFF;
	v60 =	vadd.s32 $0xFFF86000, v0  }
0x55: {  	s29 =	sor.u32 $0x240, s24;
	v0 =	vsel vm12, v60, v0  }
0x56: {  	[tilespmem:s29+$0x0] =	vst v0  }
0x57: {  	v0 =	vld [tilespmem:s24+$0x50];
	_ =	sdelay $0x4  }
0x58: {  	vm13 =	vgt.s32 v0, $0x79FFF;
	v61 =	vadd.s32 $0xFFF86000, v0  }
0x59: {  	s30 =	sor.u32 $0x250, s24;
	v0 =	vsel vm13, v61, v0  }
0x5a: {  	[tilespmem:s30+$0x0] =	vst v0  }
0x5b: {  	v0 =	vld [tilespmem:s24+$0x60];
	_ =	sdelay $0x4  }
0x5c: {  	vm14 =	vgt.s32 v0, $0x79FFF;
	v62 =	vadd.s32 $0xFFF86000, v0  }
0x5d: {  	s31 =	sor.u32 $0x260, s24;
	v0 =	vsel vm14, v62, v0  }
0x5e: {  	[tilespmem:s31+$0x0] =	vst v0  }
0x5f: {  	v0 =	vld [tilespmem:s24+$0x70];
	_ =	sdelay $0x1  }
0x60: {  	p0 =	sne.s32 s21, $0x0  }
.Ltmp4:
0x61: {  	_ = 	snop;
	(pc) =	sbr.rel @!p0 .LBB2_3-.Ltmp4, $4  }
0x62: {  	_ = 	snop  }
0x63: {  	vm15 =	vgt.s32 v0, $0x79FFF;
	v63 =	vadd.s32 $0xFFF86000, v0  }
0x64: {  	s24 =	sor.u32 $0x270, s24;
	v0 =	vsel vm15, v63, v0  }
0x65: {  	[tilespmem:s24+$0x0] =	vst v0  }
0x66: {  	p1 =	seq.s32 s21, $0xC6  }
.Ltmp5:
0x67: {  	_ = 	snop;
	(pc) =	sbr.rel @p1 .LBB2_6-.Ltmp5, $4  }
.Ltmp6:
0x68: {  	_ =	swait.ge [sflag:s15], $0x4000;
	(pc) =	sbr.rel @!p1 .LBB2_5-.Ltmp6, $4  }
0x69: {  	[sflag:s15] =	ssyncset.done $0x0  }
0x6a: {  	p0 =	por $0x1, $0x1;
	[sflag:s15] =	ssyncadd.s32 $0xFFFFC000  }
0x6b: {  	[tilespmem:s13], [sflag:$0x2] =	stream.indirect.gather [hbm4b:s3+s9], $0x80, s23, s9, $0xb8;
	[tilespmem:$0x8400] =	vst v63  }
0x6c: {  	_ = 	snop  }
.LBB2_3:
0x6d: {  	[tilespmem:s13], [sflag:$0x2] =	stream.indirect.gather [hbm4b:s3+s9], $0x80, s23, s9, $0xb8;
	[tilespmem:$0x8400] =	vst v63  }
.LBB2_5:
0x6e: {  	s23 =	sadd.s32 $0x2, s21  }
0x6f: {  	s24 =	sand.u32 $0xFF, s23  }
0x70: {  	s24 =	smul.u32 $0xAB, s24;
	_ =	sdelay $0x1  }
0x71: {  	s24 =	sshrl.u32 s24, $0x9  }
0x72: {  	s24 =	smul.u32 $0x3, s24  }
0x73: {  	s25 =	sadd.s32 $0xFFFFFFF0, s17;
	s26 =	sadd.s32 $0xFFFFFE00, s18  }
0x74: {  	s30 =	sand.u32 $0x60, s25;
	s31 =	sand.u32 $0x3F000, s26;
	s23 =	ssub.s32 s23, s24  }
0x75: {  	s24 =	sor.u32 s30, s31;
	s23 =	sand.u32 $0xFF, s23  }
0x76: {  	p0 =	por $0x0, $0x0;
	s24 =	sadd.s32 s24, s4;
	s23 =	sshll.u32 s23, $0x7  }
0x77: {  	[tilespmem:s23], [sflag:$0x1] =	stream.linear.gather [hbm4b:s24+s1], $0x80, $0x38;
	[tilespmem:$0x8400] =	vst v63  }
.LBB2_6:
0x78: {  	p1 =	sgt.u32 s22, $0xC6  }
.Ltmp7:
0x79: {  	_ = 	snop;
	(pc) =	sbr.rel @p1 .LBB2_8-.Ltmp7, $4  }
0x7a: {  	_ =	swait.ge [sflag:s14], $0x4000  }
0x7b: {  	[sflag:s14] =	ssyncset.done $0x0  }
0x7c: {  	s22 =	sadd.s32 $0x2, s21;
	[sflag:s14] =	ssyncadd.s32 $0xFFFFC000  }
0x7d: {  	[hbm4b:s20+s1] =	stream.linear.scatter [tilespmem:s12], [sflag:$0x3], $0x4000, $0x38;
	[tilespmem:$0x8400] =	vst v63  }
0x7e: {  	s23 =	sadd.s32 $0x2, s21  }
0x7f: {  	s24 =	sand.u32 $0xFF, s23  }
0x80: {  	s24 =	smul.u32 $0xAB, s24;
	_ =	sdelay $0x1  }
0x81: {  	s24 =	sshrl.u32 s24, $0x9  }
0x82: {  	s24 =	smul.u32 $0x3, s24;
	_ =	sdelay $0x1  }
0x83: {  	_ =	swait.ge [sflag:s10], $0x80;
	s23 =	ssub.s32 s23, s24  }
0x84: {  	[sflag:s10] =	ssyncset.done $0x0;
	s23 =	sand.u32 $0xFF, s23  }
0x85: {  	[sflag:s10] =	ssyncadd.s32 $0xFFFFFF80;
	s23 =	sshll.u32 s23, $0x7  }
0x86: {  	v0 =	vld [tilespmem:s23+$0x0];
	_ =	sdelay $0x4  }
0x87: {  	vm0 =	vgt.s32 v0, $0x79FFF;
	v1 =	vadd.s32 $0xFFF86000, v0  }
0x88: {  	s24 =	sor.u32 $0x200, s23;
	v0 =	vsel vm0, v1, v0  }
0x89: {  	[tilespmem:s24+$0x0] =	vst v0  }
0x8a: {  	v0 =	vld [tilespmem:s23+$0x10];
	_ =	sdelay $0x4  }
0x8b: {  	vm9 =	vgt.s32 v0, $0x79FFF;
	v57 =	vadd.s32 $0xFFF86000, v0  }
0x8c: {  	s25 =	sor.u32 $0x210, s23;
	v0 =	vsel vm9, v57, v0  }
0x8d: {  	[tilespmem:s25+$0x0] =	vst v0  }
0x8e: {  	v0 =	vld [tilespmem:s23+$0x20];
	_ =	sdelay $0x4  }
0x8f: {  	vm10 =	vgt.s32 v0, $0x79FFF;
	v58 =	vadd.s32 $0xFFF86000, v0  }
0x90: {  	s26 =	sor.u32 $0x220, s23;
	v0 =	vsel vm10, v58, v0  }
0x91: {  	[tilespmem:s26+$0x0] =	vst v0  }
0x92: {  	v0 =	vld [tilespmem:s23+$0x30];
	_ =	sdelay $0x4  }
0x93: {  	vm11 =	vgt.s32 v0, $0x79FFF;
	v59 =	vadd.s32 $0xFFF86000, v0  }
0x94: {  	s28 =	sor.u32 $0x230, s23;
	v0 =	vsel vm11, v59, v0  }
0x95: {  	[tilespmem:s28+$0x0] =	vst v0  }
0x96: {  	v0 =	vld [tilespmem:s23+$0x40];
	_ =	sdelay $0x4  }
0x97: {  	vm12 =	vgt.s32 v0, $0x79FFF;
	v60 =	vadd.s32 $0xFFF86000, v0  }
0x98: {  	s29 =	sor.u32 $0x240, s23;
	v0 =	vsel vm12, v60, v0  }
0x99: {  	[tilespmem:s29+$0x0] =	vst v0  }
0x9a: {  	v0 =	vld [tilespmem:s23+$0x50];
	_ =	sdelay $0x4  }
0x9b: {  	vm13 =	vgt.s32 v0, $0x79FFF;
	v61 =	vadd.s32 $0xFFF86000, v0  }
0x9c: {  	s30 =	sor.u32 $0x250, s23;
	v0 =	vsel vm13, v61, v0  }
0x9d: {  	[tilespmem:s30+$0x0] =	vst v0  }
0x9e: {  	v0 =	vld [tilespmem:s23+$0x60];
	_ =	sdelay $0x4  }
0x9f: {  	vm14 =	vgt.s32 v0, $0x79FFF;
	v62 =	vadd.s32 $0xFFF86000, v0  }
0xa0: {  	s31 =	sor.u32 $0x260, s23;
	v0 =	vsel vm14, v62, v0  }
0xa1: {  	[tilespmem:s31+$0x0] =	vst v0  }
0xa2: {  	v0 =	vld [tilespmem:s23+$0x70];
	_ =	sdelay $0x4  }
0xa3: {  	vm15 =	vgt.s32 v0, $0x79FFF;
	v63 =	vadd.s32 $0xFFF86000, v0  }
0xa4: {  	s23 =	sor.u32 $0x270, s23;
	v0 =	vsel vm15, v63, v0  }
.Ltmp8:
0xa5: {  	[tilespmem:s23+$0x0] =	vst v0;
	(pc) =	sbr.rel .LBB2_8-.Ltmp8, $4  }
0xa6: {  	_ =	swait.ge [sflag:s15], $0x4000  }
0xa7: {  	[sflag:s15] =	ssyncset.done $0x0  }
0xa8: {  	[sflag:s15] =	ssyncadd.s32 $0xFFFFC000  }
0xa9: {  	[tilespmem:s12], [sflag:$0x2] =	stream.indirect.gather [hbm4b:s3+s9], $0x80, s24, s9, $0xb8;
	[tilespmem:$0x8400] =	vst v63  }
.LBB2_10:
0xaa: {  	_ =	sfence.sel $0x180000  }
0xab: {  	[bflag:$0x0] =	sbarrier.arrive $0xFFFF  }
0xac: {  	p0 =	sne.s32 s2, $0x0;
	_ =	strace $0x90000047  }
0xad: {  	s0 =	sadd.s32 @!p0 $0x100000, s0;
	[bflag:$0x2] =	sbarrier.arrive $0xFFFF  }
0xae: {  	[sflag:s0] =	ssyncadd.tile.s32 @!p0 $0x1;
	_ =	shalt  }
.Lfunc_end2:
_tile_overlayer_lowered:
.L_overlay_start_2:
0xaf: {  	(tag) =	ssettag $0x2  }
0xb0: {  	s0 =	rddreg [dreg:$0x0];
	s2 =	stileid.u32  }
0xb1: {  	s1 =	rddreg [dreg:$0x1];
	p0 =	sne.s32 s2, $0x0  }
0xb2: {  	s3 =	rddreg [dreg:$0x2];
	[bflag:$0x3] =	sbarrier.arrive $0xFFFF;
	s2 =	simm.s32 @!p0 $0x1C04  }
0xb3: {  	[timem:s3], [sflag:s2] =	dma.local @!p0 [hbm:s0], s1  }
0xb4: {  	s0 =	simm.s32 @!p0 $0x4  }
0xb5: {  	_ =	swait.ge @!p0 [sflag:s0], s1  }
0xb6: {  	s1 =	ssub.s32 @!p0 $0x0, s1;
	[sflag:s0] =	ssyncset.done @!p0 $0x0  }
0xb7: {  	[sflag:s0] =	ssyncadd.s32 @!p0 s1  }
0xb8: {  	[bflag:$0x3] =	sbarrier.arrive $0xFFFF  }
0xb9: {  	_ =	shalt  }

</sc_bundles>
